<compile_context>
chip_gen: v7x
topology: tpu7x:2x2x1
jax: 0.10.2.dev20260603
libtpu: 0.0.44.dev20260713+nightly
codegen_flags: <defaults>
</compile_context>

<pallas_src>
import functools
import math

import jax
import jax.numpy as jnp
from jax import lax
from jax.experimental import pallas as pl
from jax.experimental.pallas import tpu as pltpu
from jax.experimental.pallas import tpu_sc as plsc

NUM_JOINTS = 21
IMG_SIZE = 256
G_SIZE = 11
G_SIGMA = 3.0
BATCH = 32

_C = BATCH * NUM_JOINTS
_INV2S2 = 1.0 / (2.0 * G_SIGMA * G_SIGMA)
_R = (G_SIZE - 1) // 2

_NC, _NS, _L = 2, 16, 16
_NW = _NC * _NS
_CPW = _C // _NW
_NP = G_SIZE * G_SIZE
_NQ = 8


def _sc_body(cpw, xy_hbm, out_hbm, xy_v, img):
    S = IMG_SIZE
    wid = lax.axis_index("s") * _NC + lax.axis_index("c")
    pltpu.sync_copy(xy_hbm.at[wid], xy_v)

    lane_i = lax.iota(jnp.int32, _L)
    zero16 = lane_i.astype(jnp.float32) * 0.0

    dys, dxs, gvs, oks = [], [], [], []
    for q in range(_NQ):
        p = lane_i + (q * _L)
        dy = p // G_SIZE - _R
        dx = p % G_SIZE - _R
        ok = p < _NP
        dyf = dy.astype(jnp.float32)
        dxf = dx.astype(jnp.float32)
        gv = jnp.where(ok, jnp.exp((dyf * dyf + dxf * dxf) * (-_INV2S2)), 0.0)
        dys.append(dy)
        dxs.append(dx)
        gvs.append(gv)
        oks.append(ok)

    def zrow(r, carry):
        for chk in range(S // _L):
            img[r, pl.ds(chk * _L, _L)] = zero16
        return carry

    lax.fori_loop(0, S, zrow, 0)

    def rnd_clamp(v):
        u = jnp.clip((v * 0.25 + 0.5) * (S - 1), 0.0, float(S - 1))
        c0 = (u + 0.5).astype(jnp.int32)
        tie = (c0.astype(jnp.float32) - u) == 0.5
        odd = (c0 & 1) == 1
        return c0 - jnp.where(tie & odd, 1, 0)

    def chan(i, carry):
        ix = rnd_clamp(xy_v[i, 0])
        iy = rnd_clamp(xy_v[i, 1])

        rows, cols, masks = [], [], []
        for q in range(_NQ):
            row = iy + dys[q]
            col = ix + dxs[q]
            m = (oks[q]
                 & (row >= 0) & (row <= S - 1)
                 & (col >= 0) & (col <= S - 1))
            plsc.store_scatter(img, [row, col], gvs[q], mask=m)
            rows.append(row)
            cols.append(col)
            masks.append(m)

        pltpu.sync_copy(img, out_hbm.at[i * _NW + wid])

        for q in range(_NQ):
            plsc.store_scatter(img, [rows[q], cols[q]], zero16, mask=masks[q])

        return carry

    lax.fori_loop(0, cpw, chan, 0)


def _sc_heatmap(xy_splat, nch):
    cpw = nch // _NW
    mesh = plsc.VectorSubcoreMesh(core_axis_name="c", subcore_axis_name="s")
    return pl.kernel(
        functools.partial(_sc_body, cpw),
        out_type=jax.ShapeDtypeStruct((nch, IMG_SIZE, IMG_SIZE), jnp.float32),
        mesh=mesh,
        scratch_types=[
            pltpu.VMEM((cpw, 2, _L), jnp.float32),
            pltpu.VMEM((IMG_SIZE, IMG_SIZE), jnp.float32),
        ],
        compiler_params=pltpu.CompilerParams(needs_layout_passes=False),
    )(xy_splat)


def kernel(joint):
    B, J, _ = joint.shape
    xy = joint.reshape(B * J, 3)[:, :2]
    xy_splat = jnp.broadcast_to(xy[:, :, None], (_C, 2, _L))
    xy_splat = xy_splat.reshape(_CPW, _NW, 2, _L).swapaxes(0, 1)
    out = _sc_heatmap(xy_splat, _C)
    return out.reshape(B, J, IMG_SIZE, IMG_SIZE)

# --- scband reference (transcript-rebuilt; emitter-appended) ---
"""Pipeline reference for scband-projection-net-76312978915630 (READ-ONLY COPY).

The authoritative reference and input builder live on the scoring server;
editing this copy changes nothing except your own understanding.
"""

import jax, jax.numpy as jnp
import numpy as np

NUM_JOINTS = 21
IMG_SIZE = 256
G_SIZE = 11
G_SIGMA = 3.0
BATCH = 32


def _gaussian_kernel():
    ax = np.arange(G_SIZE, dtype=np.float64) - (G_SIZE - 1) / 2.0
    xx, yy = np.meshgrid(ax, ax)
    k = np.exp(-(xx ** 2 + yy ** 2) / (2.0 * G_SIGMA ** 2))
    k = k / k.max()  # peak_to_one=True: normalize so peak value is 1
    return jnp.asarray(k, dtype=jnp.float32)


def setup_inputs(seed: int = 0):
    key = jax.random.key(seed)
    joint = jax.random.normal(key, (BATCH, NUM_JOINTS, 3), dtype=jnp.float32)
    return {"joint": joint}


def reference(joint):
    B, J, _ = joint.shape
    S = IMG_SIZE
    # concrete _convert_to_uv: orthographic projection of xy into pixel coords
    uv = (joint[..., :2] * 0.25 + 0.5) * (S - 1)
    # GenHeatmapSeed.forward: round, clamp, scatter a 1 at (y, x) per (sample, joint)
    int_uv = jnp.clip(jnp.round(uv), 0, S - 1).astype(jnp.int32)
    int_uv = jax.lax.stop_gradient(int_uv)
    flat = int_uv.reshape(-1, 2)
    x_idx = flat[:, 0]
    y_idx = flat[:, 1]
    bj = jnp.arange(B * J)
    seeds = jnp.zeros((B * J, S, S), dtype=jnp.float32).at[bj, y_idx, x_idx].set(1.0)
    seeds = seeds.reshape(B, J, S, S)
    # GaussianFilter: depthwise 2D gaussian conv, same padding, one group per joint channel
    kern = _gaussian_kernel()
    w = jnp.tile(kern[None, None, :, :], (J, 1, 1, 1))  # (J, 1, k, k)
    pad = (G_SIZE - 1) // 2
    heatmap = jax.lax.conv_general_dilated(
        seeds, w,
        window_strides=(1, 1),
        padding=((pad, pad), (pad, pad)),
        dimension_numbers=("NCHW", "OIHW", "NCHW"),
        feature_group_count=J)
    return heatmap

if __name__ == "__main__":
    import jax
    _d = setup_inputs()
    print(jax.jit(kernel)(*tuple(_d.values())))

</pallas_src>

<mosaic_0001>
#map = affine_map<(d0, d1) -> (0, 0, 0, 0)>
#map1 = affine_map<(d0, d1) -> (0, 0, 0)>
module attributes {stable_mosaic.version = 14 : i64} {
  func.func @_sc_body(%arg0: i32, %arg1: i32, %arg2: memref<32x21x2x16xf32, #tpu.memory_space<hbm>>, %arg3: memref<672x256x256xf32, #tpu.memory_space<hbm>>, %arg4: memref<21x2x16xf32, #tpu.memory_space<vmem>>, %arg5: memref<256x256xf32, #tpu.memory_space<vmem>>) attributes {dimension_semantics = [#tpu.dimension_semantics<core_parallel>, #tpu.dimension_semantics<subcore_parallel>], iteration_bounds = array<i64: 2, 16>, scalar_prefetch = 0 : i64, scratch_operands = 2 : i64, tpu.core_type = #tpu.core_type<sc_vector_subcore>, window_params = [{transform_indices = #map}, {transform_indices = #map1}]} {
    %mul3A = arith.constant 2 : i32
    %mul3A_0 = arith.muli %arg1, %mul3A : i32
    %add3A = arith.addi %mul3A_0, %arg0 : i32
    "tpu.region"() ({
      %run_scoped3A = tpu.sem_alloc : memref<!tpu.dma_semaphore, #tpu.memory_space<semaphore_mem>>
      %dma_start3A = arith.constant 0 : i32
      %dma_start3A_619 = arith.constant 0 : i32
      %dma_start3A_620 = arith.constant 0 : i32
      %dma_start3A_621 = tpu.memref_slice %arg2[%add3A, %dma_start3A, %dma_start3A_619, %dma_start3A_620] : memref<32x21x2x16xf32, #tpu.memory_space<hbm>> -> memref<1x21x2x16xf32, #tpu.memory_space<hbm>>
      %dma_start3A_622 = tpu.memref_squeeze %dma_start3A_621 : memref<1x21x2x16xf32, #tpu.memory_space<hbm>> -> memref<21x2x16xf32, #tpu.memory_space<hbm>>
      %dma_start3A_623 = arith.constant 0 : i32
      %dma_start3A_624 = arith.constant 0 : i32
      %dma_start3A_625 = arith.constant 0 : i32
      %dma_start3A_626 = tpu.memref_slice %arg2[%add3A, %dma_start3A_623, %dma_start3A_624, %dma_start3A_625] : memref<32x21x2x16xf32, #tpu.memory_space<hbm>> -> memref<1x21x2x16xf32, #tpu.memory_space<hbm>>
      %dma_start3A_627 = tpu.memref_squeeze %dma_start3A_626 : memref<1x21x2x16xf32, #tpu.memory_space<hbm>> -> memref<21x2x16xf32, #tpu.memory_space<hbm>>
      tpu.enqueue_dma source(%dma_start3A_627 : memref<21x2x16xf32, #tpu.memory_space<hbm>>) target(%arg4 : memref<21x2x16xf32, #tpu.memory_space<vmem>>) target_semaphore(%run_scoped3A : memref<!tpu.dma_semaphore, #tpu.memory_space<semaphore_mem>>)
      %dma_wait3A = arith.constant 0 : i32
      %dma_wait3A_628 = arith.constant 0 : i32
      %dma_wait3A_629 = arith.constant 0 : i32
      %dma_wait3A_630 = tpu.memref_slice %arg2[%add3A, %dma_wait3A, %dma_wait3A_628, %dma_wait3A_629] : memref<32x21x2x16xf32, #tpu.memory_space<hbm>> -> memref<1x21x2x16xf32, #tpu.memory_space<hbm>>
      %dma_wait3A_631 = tpu.memref_squeeze %dma_wait3A_630 : memref<1x21x2x16xf32, #tpu.memory_space<hbm>> -> memref<21x2x16xf32, #tpu.memory_space<hbm>>
      %dma_wait3A_632 = arith.constant 0 : i32
      %dma_wait3A_633 = arith.constant 0 : i32
      %dma_wait3A_634 = arith.constant 0 : i32
      %dma_wait3A_635 = tpu.memref_slice %arg2[%add3A, %dma_wait3A_632, %dma_wait3A_633, %dma_wait3A_634] : memref<32x21x2x16xf32, #tpu.memory_space<hbm>> -> memref<1x21x2x16xf32, #tpu.memory_space<hbm>>
      %dma_wait3A_636 = tpu.memref_squeeze %dma_wait3A_635 : memref<1x21x2x16xf32, #tpu.memory_space<hbm>> -> memref<21x2x16xf32, #tpu.memory_space<hbm>>
      tpu.wait_dma2 semaphore(%run_scoped3A : memref<!tpu.dma_semaphore, #tpu.memory_space<semaphore_mem>>) src(%dma_wait3A_636 : memref<21x2x16xf32, #tpu.memory_space<hbm>>) dst(%arg4 : memref<21x2x16xf32, #tpu.memory_space<vmem>>)
      tpu.yield
    }) : () -> ()
    %iota3A = tpu.iota {dimensions = array<i32: 0>} : vector<16xi32>
    %convert_element_type3A = arith.sitofp %iota3A : vector<16xi32> to vector<16xf32>
    %mul3A_1 = arith.constant 0.000000e+00 : f32
    %mul3A_2 = vector.broadcast %mul3A_1 : f32 to vector<16xf32>
    %mul3A_3 = arith.mulf %convert_element_type3A, %mul3A_2 : vector<16xf32>
    %add3A_4 = arith.constant 0 : i32
    %add3A_5 = vector.broadcast %add3A_4 : i32 to vector<16xi32>
    %add3A_6 = arith.addi %iota3A, %add3A_5 : vector<16xi32>
    %jit3A = arith.constant 11 : i32
    %div3A = vector.broadcast %jit3A : i32 to vector<16xi32>
    %div3A_7 = arith.divsi %add3A_6, %div3A : vector<16xi32>
    %sign3A = arith.constant 0 : i32
    %sign3A_8 = vector.broadcast %sign3A : i32 to vector<16xi32>
    %sign3A_9 = arith.cmpi sgt, %add3A_6, %sign3A_8 : vector<16xi32>
    %sign3A_10 = arith.extui %sign3A_9 : vector<16xi1> to vector<16xi32>
    %sign3A_11 = arith.constant 0 : i32
    %sign3A_12 = vector.broadcast %sign3A_11 : i32 to vector<16xi32>
    %sign3A_13 = arith.cmpi slt, %add3A_6, %sign3A_12 : vector<16xi32>
    %sign3A_14 = arith.extui %sign3A_13 : vector<16xi1> to vector<16xi32>
    %sign3A_15 = arith.subi %sign3A_10, %sign3A_14 : vector<16xi32>
    %sign3A_16 = arith.constant 0 : i32
    %sign3A_17 = arith.cmpi sgt, %jit3A, %sign3A_16 : i32
    %sign3A_18 = arith.extui %sign3A_17 : i1 to i32
    %sign3A_19 = arith.constant 0 : i32
    %sign3A_20 = arith.cmpi slt, %jit3A, %sign3A_19 : i32
    %sign3A_21 = arith.extui %sign3A_20 : i1 to i32
    %sign3A_22 = arith.subi %sign3A_18, %sign3A_21 : i32
    %ne3A = vector.broadcast %sign3A_22 : i32 to vector<16xi32>
    %ne3A_23 = arith.cmpi ne, %sign3A_15, %ne3A : vector<16xi32>
    %rem3A = vector.broadcast %jit3A : i32 to vector<16xi32>
    %rem3A_24 = arith.remsi %add3A_6, %rem3A : vector<16xi32>
    %ne3A_25 = arith.constant 0 : i32
    %ne3A_26 = vector.broadcast %ne3A_25 : i32 to vector<16xi32>
    %ne3A_27 = arith.cmpi ne, %rem3A_24, %ne3A_26 : vector<16xi32>
    %and3A = arith.andi %ne3A_23, %ne3A_27 : vector<16xi1>
    %sub3A = arith.constant 1 : i32
    %sub3A_28 = vector.broadcast %sub3A : i32 to vector<16xi32>
    %sub3A_29 = arith.subi %div3A_7, %sub3A_28 : vector<16xi32>
    %select_n3A = arith.select %and3A, %sub3A_29, %div3A_7 : vector<16xi1>, vector<16xi32>
    %sub3A_30 = arith.constant 5 : i32
    %sub3A_31 = vector.broadcast %sub3A_30 : i32 to vector<16xi32>
    %sub3A_32 = arith.subi %select_n3A, %sub3A_31 : vector<16xi32>
    %jit3A_33 = arith.constant 11 : i32
    %eq3A = arith.constant 0 : i32
    %eq3A_34 = arith.cmpi eq, %jit3A_33, %eq3A : i32
    %jit3A_35 = arith.constant 1 : i32
    %select_n3A_36 = arith.select %eq3A_34, %jit3A_35, %jit3A_33 : i32
    %rem3A_37 = vector.broadcast %select_n3A_36 : i32 to vector<16xi32>
    %rem3A_38 = arith.remsi %add3A_6, %rem3A_37 : vector<16xi32>
    %ne3A_39 = arith.constant 0 : i32
    %ne3A_40 = vector.broadcast %ne3A_39 : i32 to vector<16xi32>
    %ne3A_41 = arith.cmpi ne, %rem3A_38, %ne3A_40 : vector<16xi32>
    %lt3A = arith.constant 0 : i32
    %lt3A_42 = vector.broadcast %lt3A : i32 to vector<16xi32>
    %lt3A_43 = arith.cmpi slt, %rem3A_38, %lt3A_42 : vector<16xi32>
    %lt3A_44 = arith.constant 0 : i32
    %lt3A_45 = arith.cmpi slt, %select_n3A_36, %lt3A_44 : i32
    %ne3A_46 = vector.broadcast %lt3A_45 : i1 to vector<16xi1>
    %ne3A_47 = vector.broadcast %ne3A_46 : vector<16xi1> to vector<16xi1>
    %ne3A_48 = arith.xori %lt3A_43, %ne3A_47 : vector<16xi1>
    %and3A_49 = arith.andi %ne3A_48, %ne3A_41 : vector<16xi1>
    %add3A_50 = vector.broadcast %select_n3A_36 : i32 to vector<16xi32>
    %add3A_51 = arith.addi %rem3A_38, %add3A_50 : vector<16xi32>
    %select_n3A_52 = arith.select %and3A_49, %add3A_51, %rem3A_38 : vector<16xi1>, vector<16xi32>
    %sub3A_53 = arith.constant 5 : i32
    %sub3A_54 = vector.broadcast %sub3A_53 : i32 to vector<16xi32>
    %sub3A_55 = arith.subi %select_n3A_52, %sub3A_54 : vector<16xi32>
    %lt3A_56 = arith.constant 121 : i32
    %lt3A_57 = vector.broadcast %lt3A_56 : i32 to vector<16xi32>
    %lt3A_58 = arith.cmpi slt, %add3A_6, %lt3A_57 : vector<16xi32>
    %convert_element_type3A_59 = arith.sitofp %sub3A_32 : vector<16xi32> to vector<16xf32>
    %convert_element_type3A_60 = arith.sitofp %sub3A_55 : vector<16xi32> to vector<16xf32>
    %mul3A_61 = arith.mulf %convert_element_type3A_59, %convert_element_type3A_59 : vector<16xf32>
    %mul3A_62 = arith.mulf %convert_element_type3A_60, %convert_element_type3A_60 : vector<16xf32>
    %add3A_63 = arith.addf %mul3A_61, %mul3A_62 : vector<16xf32>
    %mul3A_64 = arith.constant -0.055555556 : f32
    %mul3A_65 = vector.broadcast %mul3A_64 : f32 to vector<16xf32>
    %mul3A_66 = arith.mulf %add3A_63, %mul3A_65 : vector<16xf32>
    %exp3A = math.exp %mul3A_66 : vector<16xf32>
    %jit3A_67 = arith.constant 0.000000e+00 : f32
    %broadcast_in_dim3A = vector.broadcast %jit3A_67 : f32 to vector<16xf32>
    %select_n3A_68 = arith.select %lt3A_58, %exp3A, %broadcast_in_dim3A : vector<16xi1>, vector<16xf32>
    %add3A_69 = arith.constant 16 : i32
    %add3A_70 = vector.broadcast %add3A_69 : i32 to vector<16xi32>
    %add3A_71 = arith.addi %iota3A, %add3A_70 : vector<16xi32>
    %jit3A_72 = arith.constant 11 : i32
    %div3A_73 = vector.broadcast %jit3A_72 : i32 to vector<16xi32>
    %div3A_74 = arith.divsi %add3A_71, %div3A_73 : vector<16xi32>
    %sign3A_75 = arith.constant 0 : i32
    %sign3A_76 = vector.broadcast %sign3A_75 : i32 to vector<16xi32>
    %sign3A_77 = arith.cmpi sgt, %add3A_71, %sign3A_76 : vector<16xi32>
    %sign3A_78 = arith.extui %sign3A_77 : vector<16xi1> to vector<16xi32>
    %sign3A_79 = arith.constant 0 : i32
    %sign3A_80 = vector.broadcast %sign3A_79 : i32 to vector<16xi32>
    %sign3A_81 = arith.cmpi slt, %add3A_71, %sign3A_80 : vector<16xi32>
    %sign3A_82 = arith.extui %sign3A_81 : vector<16xi1> to vector<16xi32>
    %sign3A_83 = arith.subi %sign3A_78, %sign3A_82 : vector<16xi32>
    %sign3A_84 = arith.constant 0 : i32
    %sign3A_85 = arith.cmpi sgt, %jit3A_72, %sign3A_84 : i32
    %sign3A_86 = arith.extui %sign3A_85 : i1 to i32
    %sign3A_87 = arith.constant 0 : i32
    %sign3A_88 = arith.cmpi slt, %jit3A_72, %sign3A_87 : i32
    %sign3A_89 = arith.extui %sign3A_88 : i1 to i32
    %sign3A_90 = arith.subi %sign3A_86, %sign3A_89 : i32
    %ne3A_91 = vector.broadcast %sign3A_90 : i32 to vector<16xi32>
    %ne3A_92 = arith.cmpi ne, %sign3A_83, %ne3A_91 : vector<16xi32>
    %rem3A_93 = vector.broadcast %jit3A_72 : i32 to vector<16xi32>
    %rem3A_94 = arith.remsi %add3A_71, %rem3A_93 : vector<16xi32>
    %ne3A_95 = arith.constant 0 : i32
    %ne3A_96 = vector.broadcast %ne3A_95 : i32 to vector<16xi32>
    %ne3A_97 = arith.cmpi ne, %rem3A_94, %ne3A_96 : vector<16xi32>
    %and3A_98 = arith.andi %ne3A_92, %ne3A_97 : vector<16xi1>
    %sub3A_99 = arith.constant 1 : i32
    %sub3A_100 = vector.broadcast %sub3A_99 : i32 to vector<16xi32>
    %sub3A_101 = arith.subi %div3A_74, %sub3A_100 : vector<16xi32>
    %select_n3A_102 = arith.select %and3A_98, %sub3A_101, %div3A_74 : vector<16xi1>, vector<16xi32>
    %sub3A_103 = arith.constant 5 : i32
    %sub3A_104 = vector.broadcast %sub3A_103 : i32 to vector<16xi32>
    %sub3A_105 = arith.subi %select_n3A_102, %sub3A_104 : vector<16xi32>
    %jit3A_106 = arith.constant 11 : i32
    %eq3A_107 = arith.constant 0 : i32
    %eq3A_108 = arith.cmpi eq, %jit3A_106, %eq3A_107 : i32
    %jit3A_109 = arith.constant 1 : i32
    %select_n3A_110 = arith.select %eq3A_108, %jit3A_109, %jit3A_106 : i32
    %rem3A_111 = vector.broadcast %select_n3A_110 : i32 to vector<16xi32>
    %rem3A_112 = arith.remsi %add3A_71, %rem3A_111 : vector<16xi32>
    %ne3A_113 = arith.constant 0 : i32
    %ne3A_114 = vector.broadcast %ne3A_113 : i32 to vector<16xi32>
    %ne3A_115 = arith.cmpi ne, %rem3A_112, %ne3A_114 : vector<16xi32>
    %lt3A_116 = arith.constant 0 : i32
    %lt3A_117 = vector.broadcast %lt3A_116 : i32 to vector<16xi32>
    %lt3A_118 = arith.cmpi slt, %rem3A_112, %lt3A_117 : vector<16xi32>
    %lt3A_119 = arith.constant 0 : i32
    %lt3A_120 = arith.cmpi slt, %select_n3A_110, %lt3A_119 : i32
    %ne3A_121 = vector.broadcast %lt3A_120 : i1 to vector<16xi1>
    %ne3A_122 = vector.broadcast %ne3A_121 : vector<16xi1> to vector<16xi1>
    %ne3A_123 = arith.xori %lt3A_118, %ne3A_122 : vector<16xi1>
    %and3A_124 = arith.andi %ne3A_123, %ne3A_115 : vector<16xi1>
    %add3A_125 = vector.broadcast %select_n3A_110 : i32 to vector<16xi32>
    %add3A_126 = arith.addi %rem3A_112, %add3A_125 : vector<16xi32>
    %select_n3A_127 = arith.select %and3A_124, %add3A_126, %rem3A_112 : vector<16xi1>, vector<16xi32>
    %sub3A_128 = arith.constant 5 : i32
    %sub3A_129 = vector.broadcast %sub3A_128 : i32 to vector<16xi32>
    %sub3A_130 = arith.subi %select_n3A_127, %sub3A_129 : vector<16xi32>
    %lt3A_131 = arith.constant 121 : i32
    %lt3A_132 = vector.broadcast %lt3A_131 : i32 to vector<16xi32>
    %lt3A_133 = arith.cmpi slt, %add3A_71, %lt3A_132 : vector<16xi32>
    %convert_element_type3A_134 = arith.sitofp %sub3A_105 : vector<16xi32> to vector<16xf32>
    %convert_element_type3A_135 = arith.sitofp %sub3A_130 : vector<16xi32> to vector<16xf32>
    %mul3A_136 = arith.mulf %convert_element_type3A_134, %convert_element_type3A_134 : vector<16xf32>
    %mul3A_137 = arith.mulf %convert_element_type3A_135, %convert_element_type3A_135 : vector<16xf32>
    %add3A_138 = arith.addf %mul3A_136, %mul3A_137 : vector<16xf32>
    %mul3A_139 = arith.constant -0.055555556 : f32
    %mul3A_140 = vector.broadcast %mul3A_139 : f32 to vector<16xf32>
    %mul3A_141 = arith.mulf %add3A_138, %mul3A_140 : vector<16xf32>
    %exp3A_142 = math.exp %mul3A_141 : vector<16xf32>
    %jit3A_143 = arith.constant 0.000000e+00 : f32
    %broadcast_in_dim3A_144 = vector.broadcast %jit3A_143 : f32 to vector<16xf32>
    %select_n3A_145 = arith.select %lt3A_133, %exp3A_142, %broadcast_in_dim3A_144 : vector<16xi1>, vector<16xf32>
    %add3A_146 = arith.constant 32 : i32
    %add3A_147 = vector.broadcast %add3A_146 : i32 to vector<16xi32>
    %add3A_148 = arith.addi %iota3A, %add3A_147 : vector<16xi32>
    %jit3A_149 = arith.constant 11 : i32
    %div3A_150 = vector.broadcast %jit3A_149 : i32 to vector<16xi32>
    %div3A_151 = arith.divsi %add3A_148, %div3A_150 : vector<16xi32>
    %sign3A_152 = arith.constant 0 : i32
    %sign3A_153 = vector.broadcast %sign3A_152 : i32 to vector<16xi32>
    %sign3A_154 = arith.cmpi sgt, %add3A_148, %sign3A_153 : vector<16xi32>
    %sign3A_155 = arith.extui %sign3A_154 : vector<16xi1> to vector<16xi32>
    %sign3A_156 = arith.constant 0 : i32
    %sign3A_157 = vector.broadcast %sign3A_156 : i32 to vector<16xi32>
    %sign3A_158 = arith.cmpi slt, %add3A_148, %sign3A_157 : vector<16xi32>
    %sign3A_159 = arith.extui %sign3A_158 : vector<16xi1> to vector<16xi32>
    %sign3A_160 = arith.subi %sign3A_155, %sign3A_159 : vector<16xi32>
    %sign3A_161 = arith.constant 0 : i32
    %sign3A_162 = arith.cmpi sgt, %jit3A_149, %sign3A_161 : i32
    %sign3A_163 = arith.extui %sign3A_162 : i1 to i32
    %sign3A_164 = arith.constant 0 : i32
    %sign3A_165 = arith.cmpi slt, %jit3A_149, %sign3A_164 : i32
    %sign3A_166 = arith.extui %sign3A_165 : i1 to i32
    %sign3A_167 = arith.subi %sign3A_163, %sign3A_166 : i32
    %ne3A_168 = vector.broadcast %sign3A_167 : i32 to vector<16xi32>
    %ne3A_169 = arith.cmpi ne, %sign3A_160, %ne3A_168 : vector<16xi32>
    %rem3A_170 = vector.broadcast %jit3A_149 : i32 to vector<16xi32>
    %rem3A_171 = arith.remsi %add3A_148, %rem3A_170 : vector<16xi32>
    %ne3A_172 = arith.constant 0 : i32
    %ne3A_173 = vector.broadcast %ne3A_172 : i32 to vector<16xi32>
    %ne3A_174 = arith.cmpi ne, %rem3A_171, %ne3A_173 : vector<16xi32>
    %and3A_175 = arith.andi %ne3A_169, %ne3A_174 : vector<16xi1>
    %sub3A_176 = arith.constant 1 : i32
    %sub3A_177 = vector.broadcast %sub3A_176 : i32 to vector<16xi32>
    %sub3A_178 = arith.subi %div3A_151, %sub3A_177 : vector<16xi32>
    %select_n3A_179 = arith.select %and3A_175, %sub3A_178, %div3A_151 : vector<16xi1>, vector<16xi32>
    %sub3A_180 = arith.constant 5 : i32
    %sub3A_181 = vector.broadcast %sub3A_180 : i32 to vector<16xi32>
    %sub3A_182 = arith.subi %select_n3A_179, %sub3A_181 : vector<16xi32>
    %jit3A_183 = arith.constant 11 : i32
    %eq3A_184 = arith.constant 0 : i32
    %eq3A_185 = arith.cmpi eq, %jit3A_183, %eq3A_184 : i32
    %jit3A_186 = arith.constant 1 : i32
    %select_n3A_187 = arith.select %eq3A_185, %jit3A_186, %jit3A_183 : i32
    %rem3A_188 = vector.broadcast %select_n3A_187 : i32 to vector<16xi32>
    %rem3A_189 = arith.remsi %add3A_148, %rem3A_188 : vector<16xi32>
    %ne3A_190 = arith.constant 0 : i32
    %ne3A_191 = vector.broadcast %ne3A_190 : i32 to vector<16xi32>
    %ne3A_192 = arith.cmpi ne, %rem3A_189, %ne3A_191 : vector<16xi32>
    %lt3A_193 = arith.constant 0 : i32
    %lt3A_194 = vector.broadcast %lt3A_193 : i32 to vector<16xi32>
    %lt3A_195 = arith.cmpi slt, %rem3A_189, %lt3A_194 : vector<16xi32>
    %lt3A_196 = arith.constant 0 : i32
    %lt3A_197 = arith.cmpi slt, %select_n3A_187, %lt3A_196 : i32
    %ne3A_198 = vector.broadcast %lt3A_197 : i1 to vector<16xi1>
    %ne3A_199 = vector.broadcast %ne3A_198 : vector<16xi1> to vector<16xi1>
    %ne3A_200 = arith.xori %lt3A_195, %ne3A_199 : vector<16xi1>
    %and3A_201 = arith.andi %ne3A_200, %ne3A_192 : vector<16xi1>
    %add3A_202 = vector.broadcast %select_n3A_187 : i32 to vector<16xi32>
    %add3A_203 = arith.addi %rem3A_189, %add3A_202 : vector<16xi32>
    %select_n3A_204 = arith.select %and3A_201, %add3A_203, %rem3A_189 : vector<16xi1>, vector<16xi32>
    %sub3A_205 = arith.constant 5 : i32
    %sub3A_206 = vector.broadcast %sub3A_205 : i32 to vector<16xi32>
    %sub3A_207 = arith.subi %select_n3A_204, %sub3A_206 : vector<16xi32>
    %lt3A_208 = arith.constant 121 : i32
    %lt3A_209 = vector.broadcast %lt3A_208 : i32 to vector<16xi32>
    %lt3A_210 = arith.cmpi slt, %add3A_148, %lt3A_209 : vector<16xi32>
    %convert_element_type3A_211 = arith.sitofp %sub3A_182 : vector<16xi32> to vector<16xf32>
    %convert_element_type3A_212 = arith.sitofp %sub3A_207 : vector<16xi32> to vector<16xf32>
    %mul3A_213 = arith.mulf %convert_element_type3A_211, %convert_element_type3A_211 : vector<16xf32>
    %mul3A_214 = arith.mulf %convert_element_type3A_212, %convert_element_type3A_212 : vector<16xf32>
    %add3A_215 = arith.addf %mul3A_213, %mul3A_214 : vector<16xf32>
    %mul3A_216 = arith.constant -0.055555556 : f32
    %mul3A_217 = vector.broadcast %mul3A_216 : f32 to vector<16xf32>
    %mul3A_218 = arith.mulf %add3A_215, %mul3A_217 : vector<16xf32>
    %exp3A_219 = math.exp %mul3A_218 : vector<16xf32>
    %jit3A_220 = arith.constant 0.000000e+00 : f32
    %broadcast_in_dim3A_221 = vector.broadcast %jit3A_220 : f32 to vector<16xf32>
    %select_n3A_222 = arith.select %lt3A_210, %exp3A_219, %broadcast_in_dim3A_221 : vector<16xi1>, vector<16xf32>
    %add3A_223 = arith.constant 48 : i32
    %add3A_224 = vector.broadcast %add3A_223 : i32 to vector<16xi32>
    %add3A_225 = arith.addi %iota3A, %add3A_224 : vector<16xi32>
    %jit3A_226 = arith.constant 11 : i32
    %div3A_227 = vector.broadcast %jit3A_226 : i32 to vector<16xi32>
    %div3A_228 = arith.divsi %add3A_225, %div3A_227 : vector<16xi32>
    %sign3A_229 = arith.constant 0 : i32
    %sign3A_230 = vector.broadcast %sign3A_229 : i32 to vector<16xi32>
    %sign3A_231 = arith.cmpi sgt, %add3A_225, %sign3A_230 : vector<16xi32>
    %sign3A_232 = arith.extui %sign3A_231 : vector<16xi1> to vector<16xi32>
    %sign3A_233 = arith.constant 0 : i32
    %sign3A_234 = vector.broadcast %sign3A_233 : i32 to vector<16xi32>
    %sign3A_235 = arith.cmpi slt, %add3A_225, %sign3A_234 : vector<16xi32>
    %sign3A_236 = arith.extui %sign3A_235 : vector<16xi1> to vector<16xi32>
    %sign3A_237 = arith.subi %sign3A_232, %sign3A_236 : vector<16xi32>
    %sign3A_238 = arith.constant 0 : i32
    %sign3A_239 = arith.cmpi sgt, %jit3A_226, %sign3A_238 : i32
    %sign3A_240 = arith.extui %sign3A_239 : i1 to i32
    %sign3A_241 = arith.constant 0 : i32
    %sign3A_242 = arith.cmpi slt, %jit3A_226, %sign3A_241 : i32
    %sign3A_243 = arith.extui %sign3A_242 : i1 to i32
    %sign3A_244 = arith.subi %sign3A_240, %sign3A_243 : i32
    %ne3A_245 = vector.broadcast %sign3A_244 : i32 to vector<16xi32>
    %ne3A_246 = arith.cmpi ne, %sign3A_237, %ne3A_245 : vector<16xi32>
    %rem3A_247 = vector.broadcast %jit3A_226 : i32 to vector<16xi32>
    %rem3A_248 = arith.remsi %add3A_225, %rem3A_247 : vector<16xi32>
    %ne3A_249 = arith.constant 0 : i32
    %ne3A_250 = vector.broadcast %ne3A_249 : i32 to vector<16xi32>
    %ne3A_251 = arith.cmpi ne, %rem3A_248, %ne3A_250 : vector<16xi32>
    %and3A_252 = arith.andi %ne3A_246, %ne3A_251 : vector<16xi1>
    %sub3A_253 = arith.constant 1 : i32
    %sub3A_254 = vector.broadcast %sub3A_253 : i32 to vector<16xi32>
    %sub3A_255 = arith.subi %div3A_228, %sub3A_254 : vector<16xi32>
    %select_n3A_256 = arith.select %and3A_252, %sub3A_255, %div3A_228 : vector<16xi1>, vector<16xi32>
    %sub3A_257 = arith.constant 5 : i32
    %sub3A_258 = vector.broadcast %sub3A_257 : i32 to vector<16xi32>
    %sub3A_259 = arith.subi %select_n3A_256, %sub3A_258 : vector<16xi32>
    %jit3A_260 = arith.constant 11 : i32
    %eq3A_261 = arith.constant 0 : i32
    %eq3A_262 = arith.cmpi eq, %jit3A_260, %eq3A_261 : i32
    %jit3A_263 = arith.constant 1 : i32
    %select_n3A_264 = arith.select %eq3A_262, %jit3A_263, %jit3A_260 : i32
    %rem3A_265 = vector.broadcast %select_n3A_264 : i32 to vector<16xi32>
    %rem3A_266 = arith.remsi %add3A_225, %rem3A_265 : vector<16xi32>
    %ne3A_267 = arith.constant 0 : i32
    %ne3A_268 = vector.broadcast %ne3A_267 : i32 to vector<16xi32>
    %ne3A_269 = arith.cmpi ne, %rem3A_266, %ne3A_268 : vector<16xi32>
    %lt3A_270 = arith.constant 0 : i32
    %lt3A_271 = vector.broadcast %lt3A_270 : i32 to vector<16xi32>
    %lt3A_272 = arith.cmpi slt, %rem3A_266, %lt3A_271 : vector<16xi32>
    %lt3A_273 = arith.constant 0 : i32
    %lt3A_274 = arith.cmpi slt, %select_n3A_264, %lt3A_273 : i32
    %ne3A_275 = vector.broadcast %lt3A_274 : i1 to vector<16xi1>
    %ne3A_276 = vector.broadcast %ne3A_275 : vector<16xi1> to vector<16xi1>
    %ne3A_277 = arith.xori %lt3A_272, %ne3A_276 : vector<16xi1>
    %and3A_278 = arith.andi %ne3A_277, %ne3A_269 : vector<16xi1>
    %add3A_279 = vector.broadcast %select_n3A_264 : i32 to vector<16xi32>
    %add3A_280 = arith.addi %rem3A_266, %add3A_279 : vector<16xi32>
    %select_n3A_281 = arith.select %and3A_278, %add3A_280, %rem3A_266 : vector<16xi1>, vector<16xi32>
    %sub3A_282 = arith.constant 5 : i32
    %sub3A_283 = vector.broadcast %sub3A_282 : i32 to vector<16xi32>
    %sub3A_284 = arith.subi %select_n3A_281, %sub3A_283 : vector<16xi32>
    %lt3A_285 = arith.constant 121 : i32
    %lt3A_286 = vector.broadcast %lt3A_285 : i32 to vector<16xi32>
    %lt3A_287 = arith.cmpi slt, %add3A_225, %lt3A_286 : vector<16xi32>
    %convert_element_type3A_288 = arith.sitofp %sub3A_259 : vector<16xi32> to vector<16xf32>
    %convert_element_type3A_289 = arith.sitofp %sub3A_284 : vector<16xi32> to vector<16xf32>
    %mul3A_290 = arith.mulf %convert_element_type3A_288, %convert_element_type3A_288 : vector<16xf32>
    %mul3A_291 = arith.mulf %convert_element_type3A_289, %convert_element_type3A_289 : vector<16xf32>
    %add3A_292 = arith.addf %mul3A_290, %mul3A_291 : vector<16xf32>
    %mul3A_293 = arith.constant -0.055555556 : f32
    %mul3A_294 = vector.broadcast %mul3A_293 : f32 to vector<16xf32>
    %mul3A_295 = arith.mulf %add3A_292, %mul3A_294 : vector<16xf32>
    %exp3A_296 = math.exp %mul3A_295 : vector<16xf32>
    %jit3A_297 = arith.constant 0.000000e+00 : f32
    %broadcast_in_dim3A_298 = vector.broadcast %jit3A_297 : f32 to vector<16xf32>
    %select_n3A_299 = arith.select %lt3A_287, %exp3A_296, %broadcast_in_dim3A_298 : vector<16xi1>, vector<16xf32>
    %add3A_300 = arith.constant 64 : i32
    %add3A_301 = vector.broadcast %add3A_300 : i32 to vector<16xi32>
    %add3A_302 = arith.addi %iota3A, %add3A_301 : vector<16xi32>
    %jit3A_303 = arith.constant 11 : i32
    %div3A_304 = vector.broadcast %jit3A_303 : i32 to vector<16xi32>
    %div3A_305 = arith.divsi %add3A_302, %div3A_304 : vector<16xi32>
    %sign3A_306 = arith.constant 0 : i32
    %sign3A_307 = vector.broadcast %sign3A_306 : i32 to vector<16xi32>
    %sign3A_308 = arith.cmpi sgt, %add3A_302, %sign3A_307 : vector<16xi32>
    %sign3A_309 = arith.extui %sign3A_308 : vector<16xi1> to vector<16xi32>
    %sign3A_310 = arith.constant 0 : i32
    %sign3A_311 = vector.broadcast %sign3A_310 : i32 to vector<16xi32>
    %sign3A_312 = arith.cmpi slt, %add3A_302, %sign3A_311 : vector<16xi32>
    %sign3A_313 = arith.extui %sign3A_312 : vector<16xi1> to vector<16xi32>
    %sign3A_314 = arith.subi %sign3A_309, %sign3A_313 : vector<16xi32>
    %sign3A_315 = arith.constant 0 : i32
    %sign3A_316 = arith.cmpi sgt, %jit3A_303, %sign3A_315 : i32
    %sign3A_317 = arith.extui %sign3A_316 : i1 to i32
    %sign3A_318 = arith.constant 0 : i32
    %sign3A_319 = arith.cmpi slt, %jit3A_303, %sign3A_318 : i32
    %sign3A_320 = arith.extui %sign3A_319 : i1 to i32
    %sign3A_321 = arith.subi %sign3A_317, %sign3A_320 : i32
    %ne3A_322 = vector.broadcast %sign3A_321 : i32 to vector<16xi32>
    %ne3A_323 = arith.cmpi ne, %sign3A_314, %ne3A_322 : vector<16xi32>
    %rem3A_324 = vector.broadcast %jit3A_303 : i32 to vector<16xi32>
    %rem3A_325 = arith.remsi %add3A_302, %rem3A_324 : vector<16xi32>
    %ne3A_326 = arith.constant 0 : i32
    %ne3A_327 = vector.broadcast %ne3A_326 : i32 to vector<16xi32>
    %ne3A_328 = arith.cmpi ne, %rem3A_325, %ne3A_327 : vector<16xi32>
    %and3A_329 = arith.andi %ne3A_323, %ne3A_328 : vector<16xi1>
    %sub3A_330 = arith.constant 1 : i32
    %sub3A_331 = vector.broadcast %sub3A_330 : i32 to vector<16xi32>
    %sub3A_332 = arith.subi %div3A_305, %sub3A_331 : vector<16xi32>
    %select_n3A_333 = arith.select %and3A_329, %sub3A_332, %div3A_305 : vector<16xi1>, vector<16xi32>
    %sub3A_334 = arith.constant 5 : i32
    %sub3A_335 = vector.broadcast %sub3A_334 : i32 to vector<16xi32>
    %sub3A_336 = arith.subi %select_n3A_333, %sub3A_335 : vector<16xi32>
    %jit3A_337 = arith.constant 11 : i32
    %eq3A_338 = arith.constant 0 : i32
    %eq3A_339 = arith.cmpi eq, %jit3A_337, %eq3A_338 : i32
    %jit3A_340 = arith.constant 1 : i32
    %select_n3A_341 = arith.select %eq3A_339, %jit3A_340, %jit3A_337 : i32
    %rem3A_342 = vector.broadcast %select_n3A_341 : i32 to vector<16xi32>
    %rem3A_343 = arith.remsi %add3A_302, %rem3A_342 : vector<16xi32>
    %ne3A_344 = arith.constant 0 : i32
    %ne3A_345 = vector.broadcast %ne3A_344 : i32 to vector<16xi32>
    %ne3A_346 = arith.cmpi ne, %rem3A_343, %ne3A_345 : vector<16xi32>
    %lt3A_347 = arith.constant 0 : i32
    %lt3A_348 = vector.broadcast %lt3A_347 : i32 to vector<16xi32>
    %lt3A_349 = arith.cmpi slt, %rem3A_343, %lt3A_348 : vector<16xi32>
    %lt3A_350 = arith.constant 0 : i32
    %lt3A_351 = arith.cmpi slt, %select_n3A_341, %lt3A_350 : i32
    %ne3A_352 = vector.broadcast %lt3A_351 : i1 to vector<16xi1>
    %ne3A_353 = vector.broadcast %ne3A_352 : vector<16xi1> to vector<16xi1>
    %ne3A_354 = arith.xori %lt3A_349, %ne3A_353 : vector<16xi1>
    %and3A_355 = arith.andi %ne3A_354, %ne3A_346 : vector<16xi1>
    %add3A_356 = vector.broadcast %select_n3A_341 : i32 to vector<16xi32>
    %add3A_357 = arith.addi %rem3A_343, %add3A_356 : vector<16xi32>
    %select_n3A_358 = arith.select %and3A_355, %add3A_357, %rem3A_343 : vector<16xi1>, vector<16xi32>
    %sub3A_359 = arith.constant 5 : i32
    %sub3A_360 = vector.broadcast %sub3A_359 : i32 to vector<16xi32>
    %sub3A_361 = arith.subi %select_n3A_358, %sub3A_360 : vector<16xi32>
    %lt3A_362 = arith.constant 121 : i32
    %lt3A_363 = vector.broadcast %lt3A_362 : i32 to vector<16xi32>
    %lt3A_364 = arith.cmpi slt, %add3A_302, %lt3A_363 : vector<16xi32>
    %convert_element_type3A_365 = arith.sitofp %sub3A_336 : vector<16xi32> to vector<16xf32>
    %convert_element_type3A_366 = arith.sitofp %sub3A_361 : vector<16xi32> to vector<16xf32>
    %mul3A_367 = arith.mulf %convert_element_type3A_365, %convert_element_type3A_365 : vector<16xf32>
    %mul3A_368 = arith.mulf %convert_element_type3A_366, %convert_element_type3A_366 : vector<16xf32>
    %add3A_369 = arith.addf %mul3A_367, %mul3A_368 : vector<16xf32>
    %mul3A_370 = arith.constant -0.055555556 : f32
    %mul3A_371 = vector.broadcast %mul3A_370 : f32 to vector<16xf32>
    %mul3A_372 = arith.mulf %add3A_369, %mul3A_371 : vector<16xf32>
    %exp3A_373 = math.exp %mul3A_372 : vector<16xf32>
    %jit3A_374 = arith.constant 0.000000e+00 : f32
    %broadcast_in_dim3A_375 = vector.broadcast %jit3A_374 : f32 to vector<16xf32>
    %select_n3A_376 = arith.select %lt3A_364, %exp3A_373, %broadcast_in_dim3A_375 : vector<16xi1>, vector<16xf32>
    %add3A_377 = arith.constant 80 : i32
    %add3A_378 = vector.broadcast %add3A_377 : i32 to vector<16xi32>
    %add3A_379 = arith.addi %iota3A, %add3A_378 : vector<16xi32>
    %jit3A_380 = arith.constant 11 : i32
    %div3A_381 = vector.broadcast %jit3A_380 : i32 to vector<16xi32>
    %div3A_382 = arith.divsi %add3A_379, %div3A_381 : vector<16xi32>
    %sign3A_383 = arith.constant 0 : i32
    %sign3A_384 = vector.broadcast %sign3A_383 : i32 to vector<16xi32>
    %sign3A_385 = arith.cmpi sgt, %add3A_379, %sign3A_384 : vector<16xi32>
    %sign3A_386 = arith.extui %sign3A_385 : vector<16xi1> to vector<16xi32>
    %sign3A_387 = arith.constant 0 : i32
    %sign3A_388 = vector.broadcast %sign3A_387 : i32 to vector<16xi32>
    %sign3A_389 = arith.cmpi slt, %add3A_379, %sign3A_388 : vector<16xi32>
    %sign3A_390 = arith.extui %sign3A_389 : vector<16xi1> to vector<16xi32>
    %sign3A_391 = arith.subi %sign3A_386, %sign3A_390 : vector<16xi32>
    %sign3A_392 = arith.constant 0 : i32
    %sign3A_393 = arith.cmpi sgt, %jit3A_380, %sign3A_392 : i32
    %sign3A_394 = arith.extui %sign3A_393 : i1 to i32
    %sign3A_395 = arith.constant 0 : i32
    %sign3A_396 = arith.cmpi slt, %jit3A_380, %sign3A_395 : i32
    %sign3A_397 = arith.extui %sign3A_396 : i1 to i32
    %sign3A_398 = arith.subi %sign3A_394, %sign3A_397 : i32
    %ne3A_399 = vector.broadcast %sign3A_398 : i32 to vector<16xi32>
    %ne3A_400 = arith.cmpi ne, %sign3A_391, %ne3A_399 : vector<16xi32>
    %rem3A_401 = vector.broadcast %jit3A_380 : i32 to vector<16xi32>
    %rem3A_402 = arith.remsi %add3A_379, %rem3A_401 : vector<16xi32>
    %ne3A_403 = arith.constant 0 : i32
    %ne3A_404 = vector.broadcast %ne3A_403 : i32 to vector<16xi32>
    %ne3A_405 = arith.cmpi ne, %rem3A_402, %ne3A_404 : vector<16xi32>
    %and3A_406 = arith.andi %ne3A_400, %ne3A_405 : vector<16xi1>
    %sub3A_407 = arith.constant 1 : i32
    %sub3A_408 = vector.broadcast %sub3A_407 : i32 to vector<16xi32>
    %sub3A_409 = arith.subi %div3A_382, %sub3A_408 : vector<16xi32>
    %select_n3A_410 = arith.select %and3A_406, %sub3A_409, %div3A_382 : vector<16xi1>, vector<16xi32>
    %sub3A_411 = arith.constant 5 : i32
    %sub3A_412 = vector.broadcast %sub3A_411 : i32 to vector<16xi32>
    %sub3A_413 = arith.subi %select_n3A_410, %sub3A_412 : vector<16xi32>
    %jit3A_414 = arith.constant 11 : i32
    %eq3A_415 = arith.constant 0 : i32
    %eq3A_416 = arith.cmpi eq, %jit3A_414, %eq3A_415 : i32
    %jit3A_417 = arith.constant 1 : i32
    %select_n3A_418 = arith.select %eq3A_416, %jit3A_417, %jit3A_414 : i32
    %rem3A_419 = vector.broadcast %select_n3A_418 : i32 to vector<16xi32>
    %rem3A_420 = arith.remsi %add3A_379, %rem3A_419 : vector<16xi32>
    %ne3A_421 = arith.constant 0 : i32
    %ne3A_422 = vector.broadcast %ne3A_421 : i32 to vector<16xi32>
    %ne3A_423 = arith.cmpi ne, %rem3A_420, %ne3A_422 : vector<16xi32>
    %lt3A_424 = arith.constant 0 : i32
    %lt3A_425 = vector.broadcast %lt3A_424 : i32 to vector<16xi32>
    %lt3A_426 = arith.cmpi slt, %rem3A_420, %lt3A_425 : vector<16xi32>
    %lt3A_427 = arith.constant 0 : i32
    %lt3A_428 = arith.cmpi slt, %select_n3A_418, %lt3A_427 : i32
    %ne3A_429 = vector.broadcast %lt3A_428 : i1 to vector<16xi1>
    %ne3A_430 = vector.broadcast %ne3A_429 : vector<16xi1> to vector<16xi1>
    %ne3A_431 = arith.xori %lt3A_426, %ne3A_430 : vector<16xi1>
    %and3A_432 = arith.andi %ne3A_431, %ne3A_423 : vector<16xi1>
    %add3A_433 = vector.broadcast %select_n3A_418 : i32 to vector<16xi32>
    %add3A_434 = arith.addi %rem3A_420, %add3A_433 : vector<16xi32>
    %select_n3A_435 = arith.select %and3A_432, %add3A_434, %rem3A_420 : vector<16xi1>, vector<16xi32>
    %sub3A_436 = arith.constant 5 : i32
    %sub3A_437 = vector.broadcast %sub3A_436 : i32 to vector<16xi32>
    %sub3A_438 = arith.subi %select_n3A_435, %sub3A_437 : vector<16xi32>
    %lt3A_439 = arith.constant 121 : i32
    %lt3A_440 = vector.broadcast %lt3A_439 : i32 to vector<16xi32>
    %lt3A_441 = arith.cmpi slt, %add3A_379, %lt3A_440 : vector<16xi32>
    %convert_element_type3A_442 = arith.sitofp %sub3A_413 : vector<16xi32> to vector<16xf32>
    %convert_element_type3A_443 = arith.sitofp %sub3A_438 : vector<16xi32> to vector<16xf32>
    %mul3A_444 = arith.mulf %convert_element_type3A_442, %convert_element_type3A_442 : vector<16xf32>
    %mul3A_445 = arith.mulf %convert_element_type3A_443, %convert_element_type3A_443 : vector<16xf32>
    %add3A_446 = arith.addf %mul3A_444, %mul3A_445 : vector<16xf32>
    %mul3A_447 = arith.constant -0.055555556 : f32
    %mul3A_448 = vector.broadcast %mul3A_447 : f32 to vector<16xf32>
    %mul3A_449 = arith.mulf %add3A_446, %mul3A_448 : vector<16xf32>
    %exp3A_450 = math.exp %mul3A_449 : vector<16xf32>
    %jit3A_451 = arith.constant 0.000000e+00 : f32
    %broadcast_in_dim3A_452 = vector.broadcast %jit3A_451 : f32 to vector<16xf32>
    %select_n3A_453 = arith.select %lt3A_441, %exp3A_450, %broadcast_in_dim3A_452 : vector<16xi1>, vector<16xf32>
    %add3A_454 = arith.constant 96 : i32
    %add3A_455 = vector.broadcast %add3A_454 : i32 to vector<16xi32>
    %add3A_456 = arith.addi %iota3A, %add3A_455 : vector<16xi32>
    %jit3A_457 = arith.constant 11 : i32
    %div3A_458 = vector.broadcast %jit3A_457 : i32 to vector<16xi32>
    %div3A_459 = arith.divsi %add3A_456, %div3A_458 : vector<16xi32>
    %sign3A_460 = arith.constant 0 : i32
    %sign3A_461 = vector.broadcast %sign3A_460 : i32 to vector<16xi32>
    %sign3A_462 = arith.cmpi sgt, %add3A_456, %sign3A_461 : vector<16xi32>
    %sign3A_463 = arith.extui %sign3A_462 : vector<16xi1> to vector<16xi32>
    %sign3A_464 = arith.constant 0 : i32
    %sign3A_465 = vector.broadcast %sign3A_464 : i32 to vector<16xi32>
    %sign3A_466 = arith.cmpi slt, %add3A_456, %sign3A_465 : vector<16xi32>
    %sign3A_467 = arith.extui %sign3A_466 : vector<16xi1> to vector<16xi32>
    %sign3A_468 = arith.subi %sign3A_463, %sign3A_467 : vector<16xi32>
    %sign3A_469 = arith.constant 0 : i32
    %sign3A_470 = arith.cmpi sgt, %jit3A_457, %sign3A_469 : i32
    %sign3A_471 = arith.extui %sign3A_470 : i1 to i32
    %sign3A_472 = arith.constant 0 : i32
    %sign3A_473 = arith.cmpi slt, %jit3A_457, %sign3A_472 : i32
    %sign3A_474 = arith.extui %sign3A_473 : i1 to i32
    %sign3A_475 = arith.subi %sign3A_471, %sign3A_474 : i32
    %ne3A_476 = vector.broadcast %sign3A_475 : i32 to vector<16xi32>
    %ne3A_477 = arith.cmpi ne, %sign3A_468, %ne3A_476 : vector<16xi32>
    %rem3A_478 = vector.broadcast %jit3A_457 : i32 to vector<16xi32>
    %rem3A_479 = arith.remsi %add3A_456, %rem3A_478 : vector<16xi32>
    %ne3A_480 = arith.constant 0 : i32
    %ne3A_481 = vector.broadcast %ne3A_480 : i32 to vector<16xi32>
    %ne3A_482 = arith.cmpi ne, %rem3A_479, %ne3A_481 : vector<16xi32>
    %and3A_483 = arith.andi %ne3A_477, %ne3A_482 : vector<16xi1>
    %sub3A_484 = arith.constant 1 : i32
    %sub3A_485 = vector.broadcast %sub3A_484 : i32 to vector<16xi32>
    %sub3A_486 = arith.subi %div3A_459, %sub3A_485 : vector<16xi32>
    %select_n3A_487 = arith.select %and3A_483, %sub3A_486, %div3A_459 : vector<16xi1>, vector<16xi32>
    %sub3A_488 = arith.constant 5 : i32
    %sub3A_489 = vector.broadcast %sub3A_488 : i32 to vector<16xi32>
    %sub3A_490 = arith.subi %select_n3A_487, %sub3A_489 : vector<16xi32>
    %jit3A_491 = arith.constant 11 : i32
    %eq3A_492 = arith.constant 0 : i32
    %eq3A_493 = arith.cmpi eq, %jit3A_491, %eq3A_492 : i32
    %jit3A_494 = arith.constant 1 : i32
    %select_n3A_495 = arith.select %eq3A_493, %jit3A_494, %jit3A_491 : i32
    %rem3A_496 = vector.broadcast %select_n3A_495 : i32 to vector<16xi32>
    %rem3A_497 = arith.remsi %add3A_456, %rem3A_496 : vector<16xi32>
    %ne3A_498 = arith.constant 0 : i32
    %ne3A_499 = vector.broadcast %ne3A_498 : i32 to vector<16xi32>
    %ne3A_500 = arith.cmpi ne, %rem3A_497, %ne3A_499 : vector<16xi32>
    %lt3A_501 = arith.constant 0 : i32
    %lt3A_502 = vector.broadcast %lt3A_501 : i32 to vector<16xi32>
    %lt3A_503 = arith.cmpi slt, %rem3A_497, %lt3A_502 : vector<16xi32>
    %lt3A_504 = arith.constant 0 : i32
    %lt3A_505 = arith.cmpi slt, %select_n3A_495, %lt3A_504 : i32
    %ne3A_506 = vector.broadcast %lt3A_505 : i1 to vector<16xi1>
    %ne3A_507 = vector.broadcast %ne3A_506 : vector<16xi1> to vector<16xi1>
    %ne3A_508 = arith.xori %lt3A_503, %ne3A_507 : vector<16xi1>
    %and3A_509 = arith.andi %ne3A_508, %ne3A_500 : vector<16xi1>
    %add3A_510 = vector.broadcast %select_n3A_495 : i32 to vector<16xi32>
    %add3A_511 = arith.addi %rem3A_497, %add3A_510 : vector<16xi32>
    %select_n3A_512 = arith.select %and3A_509, %add3A_511, %rem3A_497 : vector<16xi1>, vector<16xi32>
    %sub3A_513 = arith.constant 5 : i32
    %sub3A_514 = vector.broadcast %sub3A_513 : i32 to vector<16xi32>
    %sub3A_515 = arith.subi %select_n3A_512, %sub3A_514 : vector<16xi32>
    %lt3A_516 = arith.constant 121 : i32
    %lt3A_517 = vector.broadcast %lt3A_516 : i32 to vector<16xi32>
    %lt3A_518 = arith.cmpi slt, %add3A_456, %lt3A_517 : vector<16xi32>
    %convert_element_type3A_519 = arith.sitofp %sub3A_490 : vector<16xi32> to vector<16xf32>
    %convert_element_type3A_520 = arith.sitofp %sub3A_515 : vector<16xi32> to vector<16xf32>
    %mul3A_521 = arith.mulf %convert_element_type3A_519, %convert_element_type3A_519 : vector<16xf32>
    %mul3A_522 = arith.mulf %convert_element_type3A_520, %convert_element_type3A_520 : vector<16xf32>
    %add3A_523 = arith.addf %mul3A_521, %mul3A_522 : vector<16xf32>
    %mul3A_524 = arith.constant -0.055555556 : f32
    %mul3A_525 = vector.broadcast %mul3A_524 : f32 to vector<16xf32>
    %mul3A_526 = arith.mulf %add3A_523, %mul3A_525 : vector<16xf32>
    %exp3A_527 = math.exp %mul3A_526 : vector<16xf32>
    %jit3A_528 = arith.constant 0.000000e+00 : f32
    %broadcast_in_dim3A_529 = vector.broadcast %jit3A_528 : f32 to vector<16xf32>
    %select_n3A_530 = arith.select %lt3A_518, %exp3A_527, %broadcast_in_dim3A_529 : vector<16xi1>, vector<16xf32>
    %add3A_531 = arith.constant 112 : i32
    %add3A_532 = vector.broadcast %add3A_531 : i32 to vector<16xi32>
    %add3A_533 = arith.addi %iota3A, %add3A_532 : vector<16xi32>
    %jit3A_534 = arith.constant 11 : i32
    %div3A_535 = vector.broadcast %jit3A_534 : i32 to vector<16xi32>
    %div3A_536 = arith.divsi %add3A_533, %div3A_535 : vector<16xi32>
    %sign3A_537 = arith.constant 0 : i32
    %sign3A_538 = vector.broadcast %sign3A_537 : i32 to vector<16xi32>
    %sign3A_539 = arith.cmpi sgt, %add3A_533, %sign3A_538 : vector<16xi32>
    %sign3A_540 = arith.extui %sign3A_539 : vector<16xi1> to vector<16xi32>
    %sign3A_541 = arith.constant 0 : i32
    %sign3A_542 = vector.broadcast %sign3A_541 : i32 to vector<16xi32>
    %sign3A_543 = arith.cmpi slt, %add3A_533, %sign3A_542 : vector<16xi32>
    %sign3A_544 = arith.extui %sign3A_543 : vector<16xi1> to vector<16xi32>
    %sign3A_545 = arith.subi %sign3A_540, %sign3A_544 : vector<16xi32>
    %sign3A_546 = arith.constant 0 : i32
    %sign3A_547 = arith.cmpi sgt, %jit3A_534, %sign3A_546 : i32
    %sign3A_548 = arith.extui %sign3A_547 : i1 to i32
    %sign3A_549 = arith.constant 0 : i32
    %sign3A_550 = arith.cmpi slt, %jit3A_534, %sign3A_549 : i32
    %sign3A_551 = arith.extui %sign3A_550 : i1 to i32
    %sign3A_552 = arith.subi %sign3A_548, %sign3A_551 : i32
    %ne3A_553 = vector.broadcast %sign3A_552 : i32 to vector<16xi32>
    %ne3A_554 = arith.cmpi ne, %sign3A_545, %ne3A_553 : vector<16xi32>
    %rem3A_555 = vector.broadcast %jit3A_534 : i32 to vector<16xi32>
    %rem3A_556 = arith.remsi %add3A_533, %rem3A_555 : vector<16xi32>
    %ne3A_557 = arith.constant 0 : i32
    %ne3A_558 = vector.broadcast %ne3A_557 : i32 to vector<16xi32>
    %ne3A_559 = arith.cmpi ne, %rem3A_556, %ne3A_558 : vector<16xi32>
    %and3A_560 = arith.andi %ne3A_554, %ne3A_559 : vector<16xi1>
    %sub3A_561 = arith.constant 1 : i32
    %sub3A_562 = vector.broadcast %sub3A_561 : i32 to vector<16xi32>
    %sub3A_563 = arith.subi %div3A_536, %sub3A_562 : vector<16xi32>
    %select_n3A_564 = arith.select %and3A_560, %sub3A_563, %div3A_536 : vector<16xi1>, vector<16xi32>
    %sub3A_565 = arith.constant 5 : i32
    %sub3A_566 = vector.broadcast %sub3A_565 : i32 to vector<16xi32>
    %sub3A_567 = arith.subi %select_n3A_564, %sub3A_566 : vector<16xi32>
    %jit3A_568 = arith.constant 11 : i32
    %eq3A_569 = arith.constant 0 : i32
    %eq3A_570 = arith.cmpi eq, %jit3A_568, %eq3A_569 : i32
    %jit3A_571 = arith.constant 1 : i32
    %select_n3A_572 = arith.select %eq3A_570, %jit3A_571, %jit3A_568 : i32
    %rem3A_573 = vector.broadcast %select_n3A_572 : i32 to vector<16xi32>
    %rem3A_574 = arith.remsi %add3A_533, %rem3A_573 : vector<16xi32>
    %ne3A_575 = arith.constant 0 : i32
    %ne3A_576 = vector.broadcast %ne3A_575 : i32 to vector<16xi32>
    %ne3A_577 = arith.cmpi ne, %rem3A_574, %ne3A_576 : vector<16xi32>
    %lt3A_578 = arith.constant 0 : i32
    %lt3A_579 = vector.broadcast %lt3A_578 : i32 to vector<16xi32>
    %lt3A_580 = arith.cmpi slt, %rem3A_574, %lt3A_579 : vector<16xi32>
    %lt3A_581 = arith.constant 0 : i32
    %lt3A_582 = arith.cmpi slt, %select_n3A_572, %lt3A_581 : i32
    %ne3A_583 = vector.broadcast %lt3A_582 : i1 to vector<16xi1>
    %ne3A_584 = vector.broadcast %ne3A_583 : vector<16xi1> to vector<16xi1>
    %ne3A_585 = arith.xori %lt3A_580, %ne3A_584 : vector<16xi1>
    %and3A_586 = arith.andi %ne3A_585, %ne3A_577 : vector<16xi1>
    %add3A_587 = vector.broadcast %select_n3A_572 : i32 to vector<16xi32>
    %add3A_588 = arith.addi %rem3A_574, %add3A_587 : vector<16xi32>
    %select_n3A_589 = arith.select %and3A_586, %add3A_588, %rem3A_574 : vector<16xi1>, vector<16xi32>
    %sub3A_590 = arith.constant 5 : i32
    %sub3A_591 = vector.broadcast %sub3A_590 : i32 to vector<16xi32>
    %sub3A_592 = arith.subi %select_n3A_589, %sub3A_591 : vector<16xi32>
    %lt3A_593 = arith.constant 121 : i32
    %lt3A_594 = vector.broadcast %lt3A_593 : i32 to vector<16xi32>
    %lt3A_595 = arith.cmpi slt, %add3A_533, %lt3A_594 : vector<16xi32>
    %convert_element_type3A_596 = arith.sitofp %sub3A_567 : vector<16xi32> to vector<16xf32>
    %convert_element_type3A_597 = arith.sitofp %sub3A_592 : vector<16xi32> to vector<16xf32>
    %mul3A_598 = arith.mulf %convert_element_type3A_596, %convert_element_type3A_596 : vector<16xf32>
    %mul3A_599 = arith.mulf %convert_element_type3A_597, %convert_element_type3A_597 : vector<16xf32>
    %add3A_600 = arith.addf %mul3A_598, %mul3A_599 : vector<16xf32>
    %mul3A_601 = arith.constant -0.055555556 : f32
    %mul3A_602 = vector.broadcast %mul3A_601 : f32 to vector<16xf32>
    %mul3A_603 = arith.mulf %add3A_600, %mul3A_602 : vector<16xf32>
    %exp3A_604 = math.exp %mul3A_603 : vector<16xf32>
    %jit3A_605 = arith.constant 0.000000e+00 : f32
    %broadcast_in_dim3A_606 = vector.broadcast %jit3A_605 : f32 to vector<16xf32>
    %select_n3A_607 = arith.select %lt3A_595, %exp3A_604, %broadcast_in_dim3A_606 : vector<16xi1>, vector<16xf32>
    %scan3A = arith.constant 0 : i32
    %scan3A_608 = arith.constant 0 : i32
    %scan3A_609 = arith.constant 256 : i32
    %scan3A_610 = arith.addi %scan3A_608, %scan3A_609 : i32
    %scan3A_611 = arith.constant 1 : i32
    scf.for %scan3A_619 = %scan3A_608 to %scan3A_610 step %scan3A_611  : i32 {
      %swap3A = arith.index_cast %scan3A_619 : i32 to index
      %swap3A_620 = arith.constant 0 : index
      %swap3A_621 = tpu.vector_load %arg5[%swap3A, %swap3A_620] {strides = array<i32>} : memref<256x256xf32, #tpu.memory_space<vmem>>, vector<16xf32>,
      tpu.vector_store %arg5[%swap3A, %swap3A_620], %mul3A_3 {strides = array<i32>} : memref<256x256xf32, #tpu.memory_space<vmem>>, vector<16xf32>,
      %swap3A_622 = arith.index_cast %scan3A_619 : i32 to index
      %swap3A_623 = arith.constant 16 : index
      %swap3A_624 = tpu.vector_load %arg5[%swap3A_622, %swap3A_623] {strides = array<i32>} : memref<256x256xf32, #tpu.memory_space<vmem>>, vector<16xf32>,
      tpu.vector_store %arg5[%swap3A_622, %swap3A_623], %mul3A_3 {strides = array<i32>} : memref<256x256xf32, #tpu.memory_space<vmem>>, vector<16xf32>,
      %swap3A_625 = arith.index_cast %scan3A_619 : i32 to index
      %swap3A_626 = arith.constant 32 : index
      %swap3A_627 = tpu.vector_load %arg5[%swap3A_625, %swap3A_626] {strides = array<i32>} : memref<256x256xf32, #tpu.memory_space<vmem>>, vector<16xf32>,
      tpu.vector_store %arg5[%swap3A_625, %swap3A_626], %mul3A_3 {strides = array<i32>} : memref<256x256xf32, #tpu.memory_space<vmem>>, vector<16xf32>,
      %swap3A_628 = arith.index_cast %scan3A_619 : i32 to index
      %swap3A_629 = arith.constant 48 : index
      %swap3A_630 = tpu.vector_load %arg5[%swap3A_628, %swap3A_629] {strides = array<i32>} : memref<256x256xf32, #tpu.memory_space<vmem>>, vector<16xf32>,
      tpu.vector_store %arg5[%swap3A_628, %swap3A_629], %mul3A_3 {strides = array<i32>} : memref<256x256xf32, #tpu.memory_space<vmem>>, vector<16xf32>,
      %swap3A_631 = arith.index_cast %scan3A_619 : i32 to index
      %swap3A_632 = arith.constant 64 : index
      %swap3A_633 = tpu.vector_load %arg5[%swap3A_631, %swap3A_632] {strides = array<i32>} : memref<256x256xf32, #tpu.memory_space<vmem>>, vector<16xf32>,
      tpu.vector_store %arg5[%swap3A_631, %swap3A_632], %mul3A_3 {strides = array<i32>} : memref<256x256xf32, #tpu.memory_space<vmem>>, vector<16xf32>,
      %swap3A_634 = arith.index_cast %scan3A_619 : i32 to index
      %swap3A_635 = arith.constant 80 : index
      %swap3A_636 = tpu.vector_load %arg5[%swap3A_634, %swap3A_635] {strides = array<i32>} : memref<256x256xf32, #tpu.memory_space<vmem>>, vector<16xf32>,
      tpu.vector_store %arg5[%swap3A_634, %swap3A_635], %mul3A_3 {strides = array<i32>} : memref<256x256xf32, #tpu.memory_space<vmem>>, vector<16xf32>,
      %swap3A_637 = arith.index_cast %scan3A_619 : i32 to index
      %swap3A_638 = arith.constant 96 : index
      %swap3A_639 = tpu.vector_load %arg5[%swap3A_637, %swap3A_638] {strides = array<i32>} : memref<256x256xf32, #tpu.memory_space<vmem>>, vector<16xf32>,
      tpu.vector_store %arg5[%swap3A_637, %swap3A_638], %mul3A_3 {strides = array<i32>} : memref<256x256xf32, #tpu.memory_space<vmem>>, vector<16xf32>,
      %swap3A_640 = arith.index_cast %scan3A_619 : i32 to index
      %swap3A_641 = arith.constant 112 : index
      %swap3A_642 = tpu.vector_load %arg5[%swap3A_640, %swap3A_641] {strides = array<i32>} : memref<256x256xf32, #tpu.memory_space<vmem>>, vector<16xf32>,
      tpu.vector_store %arg5[%swap3A_640, %swap3A_641], %mul3A_3 {strides = array<i32>} : memref<256x256xf32, #tpu.memory_space<vmem>>, vector<16xf32>,
      %swap3A_643 = arith.index_cast %scan3A_619 : i32 to index
      %swap3A_644 = arith.constant 128 : index
      %swap3A_645 = tpu.vector_load %arg5[%swap3A_643, %swap3A_644] {strides = array<i32>} : memref<256x256xf32, #tpu.memory_space<vmem>>, vector<16xf32>,
      tpu.vector_store %arg5[%swap3A_643, %swap3A_644], %mul3A_3 {strides = array<i32>} : memref<256x256xf32, #tpu.memory_space<vmem>>, vector<16xf32>,
      %swap3A_646 = arith.index_cast %scan3A_619 : i32 to index
      %swap3A_647 = arith.constant 144 : index
      %swap3A_648 = tpu.vector_load %arg5[%swap3A_646, %swap3A_647] {strides = array<i32>} : memref<256x256xf32, #tpu.memory_space<vmem>>, vector<16xf32>,
      tpu.vector_store %arg5[%swap3A_646, %swap3A_647], %mul3A_3 {strides = array<i32>} : memref<256x256xf32, #tpu.memory_space<vmem>>, vector<16xf32>,
      %swap3A_649 = arith.index_cast %scan3A_619 : i32 to index
      %swap3A_650 = arith.constant 160 : index
      %swap3A_651 = tpu.vector_load %arg5[%swap3A_649, %swap3A_650] {strides = array<i32>} : memref<256x256xf32, #tpu.memory_space<vmem>>, vector<16xf32>,
      tpu.vector_store %arg5[%swap3A_649, %swap3A_650], %mul3A_3 {strides = array<i32>} : memref<256x256xf32, #tpu.memory_space<vmem>>, vector<16xf32>,
      %swap3A_652 = arith.index_cast %scan3A_619 : i32 to index
      %swap3A_653 = arith.constant 176 : index
      %swap3A_654 = tpu.vector_load %arg5[%swap3A_652, %swap3A_653] {strides = array<i32>} : memref<256x256xf32, #tpu.memory_space<vmem>>, vector<16xf32>,
      tpu.vector_store %arg5[%swap3A_652, %swap3A_653], %mul3A_3 {strides = array<i32>} : memref<256x256xf32, #tpu.memory_space<vmem>>, vector<16xf32>,
      %swap3A_655 = arith.index_cast %scan3A_619 : i32 to index
      %swap3A_656 = arith.constant 192 : index
      %swap3A_657 = tpu.vector_load %arg5[%swap3A_655, %swap3A_656] {strides = array<i32>} : memref<256x256xf32, #tpu.memory_space<vmem>>, vector<16xf32>,
      tpu.vector_store %arg5[%swap3A_655, %swap3A_656], %mul3A_3 {strides = array<i32>} : memref<256x256xf32, #tpu.memory_space<vmem>>, vector<16xf32>,
      %swap3A_658 = arith.index_cast %scan3A_619 : i32 to index
      %swap3A_659 = arith.constant 208 : index
      %swap3A_660 = tpu.vector_load %arg5[%swap3A_658, %swap3A_659] {strides = array<i32>} : memref<256x256xf32, #tpu.memory_space<vmem>>, vector<16xf32>,
      tpu.vector_store %arg5[%swap3A_658, %swap3A_659], %mul3A_3 {strides = array<i32>} : memref<256x256xf32, #tpu.memory_space<vmem>>, vector<16xf32>,
      %swap3A_661 = arith.index_cast %scan3A_619 : i32 to index
      %swap3A_662 = arith.constant 224 : index
      %swap3A_663 = tpu.vector_load %arg5[%swap3A_661, %swap3A_662] {strides = array<i32>} : memref<256x256xf32, #tpu.memory_space<vmem>>, vector<16xf32>,
      tpu.vector_store %arg5[%swap3A_661, %swap3A_662], %mul3A_3 {strides = array<i32>} : memref<256x256xf32, #tpu.memory_space<vmem>>, vector<16xf32>,
      %swap3A_664 = arith.index_cast %scan3A_619 : i32 to index
      %swap3A_665 = arith.constant 240 : index
      %swap3A_666 = tpu.vector_load %arg5[%swap3A_664, %swap3A_665] {strides = array<i32>} : memref<256x256xf32, #tpu.memory_space<vmem>>, vector<16xf32>,
      tpu.vector_store %arg5[%swap3A_664, %swap3A_665], %mul3A_3 {strides = array<i32>} : memref<256x256xf32, #tpu.memory_space<vmem>>, vector<16xf32>,
    }
    %scan3A_612 = arith.constant 256 : i32
    %scan3A_613 = arith.constant 0 : i32
    %scan3A_614 = arith.constant 0 : i32
    %scan3A_615 = arith.constant 21 : i32
    %scan3A_616 = arith.addi %scan3A_614, %scan3A_615 : i32
    %scan3A_617 = arith.constant 1 : i32
    scf.for %scan3A_619 = %scan3A_614 to %scan3A_616 step %scan3A_617  : i32 {
      %get3A = arith.constant 0 : i32
      %get3A_620 = arith.index_cast %scan3A_619 : i32 to index
      %get3A_621 = arith.index_cast %get3A : i32 to index
      %get3A_622 = arith.constant 0 : index
      %get3A_623 = tpu.vector_load %arg4[%get3A_620, %get3A_621, %get3A_622] {strides = array<i32>} : memref<21x2x16xf32, #tpu.memory_space<vmem>>, vector<16xf32>,
      %mul3A_624 = arith.constant 2.500000e-01 : f32
      %mul3A_625 = vector.broadcast %mul3A_624 : f32 to vector<16xf32>
      %mul3A_626 = arith.mulf %get3A_623, %mul3A_625 : vector<16xf32>
      %add3A_627 = arith.constant 5.000000e-01 : f32
      %add3A_628 = vector.broadcast %add3A_627 : f32 to vector<16xf32>
      %add3A_629 = arith.addf %mul3A_626, %add3A_628 : vector<16xf32>
      %mul3A_630 = arith.constant 2.550000e+02 : f32
      %mul3A_631 = vector.broadcast %mul3A_630 : f32 to vector<16xf32>
      %mul3A_632 = arith.mulf %add3A_629, %mul3A_631 : vector<16xf32>
      %jit3A_633 = arith.constant 0.000000e+00 : f32
      %jit3A_634 = arith.constant 2.550000e+02 : f32
      %max3A = vector.broadcast %jit3A_633 : f32 to vector<16xf32>
      %max3A_635 = arith.maximumf %max3A, %mul3A_632 : vector<16xf32>
      %min3A = vector.broadcast %jit3A_634 : f32 to vector<16xf32>
      %min3A_636 = arith.minimumf %min3A, %max3A_635 : vector<16xf32>
      %add3A_637 = arith.constant 5.000000e-01 : f32
      %add3A_638 = vector.broadcast %add3A_637 : f32 to vector<16xf32>
      %add3A_639 = arith.addf %min3A_636, %add3A_638 : vector<16xf32>
      %convert_element_type3A_640 = arith.fptosi %add3A_639 : vector<16xf32> to vector<16xi32>
      %convert_element_type3A_641 = arith.sitofp %convert_element_type3A_640 : vector<16xi32> to vector<16xf32>
      %sub3A_642 = arith.subf %convert_element_type3A_641, %min3A_636 : vector<16xf32>
      %eq3A_643 = arith.constant 5.000000e-01 : f32
      %eq3A_644 = vector.broadcast %eq3A_643 : f32 to vector<16xf32>
      %eq3A_645 = arith.cmpf oeq, %sub3A_642, %eq3A_644 : vector<16xf32>
      %and3A_646 = arith.constant 1 : i32
      %and3A_647 = vector.broadcast %and3A_646 : i32 to vector<16xi32>
      %and3A_648 = arith.andi %convert_element_type3A_640, %and3A_647 : vector<16xi32>
      %eq3A_649 = arith.constant 1 : i32
      %eq3A_650 = vector.broadcast %eq3A_649 : i32 to vector<16xi32>
      %eq3A_651 = arith.cmpi eq, %and3A_648, %eq3A_650 : vector<16xi32>
      %and3A_652 = arith.andi %eq3A_645, %eq3A_651 : vector<16xi1>
      %jit3A_653 = arith.constant 1 : i32
      %jit3A_654 = arith.constant 0 : i32
      %broadcast_in_dim3A_655 = vector.broadcast %jit3A_653 : i32 to vector<16xi32>
      %broadcast_in_dim3A_656 = vector.broadcast %jit3A_654 : i32 to vector<16xi32>
      %select_n3A_657 = arith.select %and3A_652, %broadcast_in_dim3A_655, %broadcast_in_dim3A_656 : vector<16xi1>, vector<16xi32>
      %sub3A_658 = arith.subi %convert_element_type3A_640, %select_n3A_657 : vector<16xi32>
      %get3A_659 = arith.constant 1 : i32
      %get3A_660 = arith.index_cast %scan3A_619 : i32 to index
      %get3A_661 = arith.index_cast %get3A_659 : i32 to index
      %get3A_662 = arith.constant 0 : index
      %get3A_663 = tpu.vector_load %arg4[%get3A_660, %get3A_661, %get3A_662] {strides = array<i32>} : memref<21x2x16xf32, #tpu.memory_space<vmem>>, vector<16xf32>,
      %mul3A_664 = arith.constant 2.500000e-01 : f32
      %mul3A_665 = vector.broadcast %mul3A_664 : f32 to vector<16xf32>
      %mul3A_666 = arith.mulf %get3A_663, %mul3A_665 : vector<16xf32>
      %add3A_667 = arith.constant 5.000000e-01 : f32
      %add3A_668 = vector.broadcast %add3A_667 : f32 to vector<16xf32>
      %add3A_669 = arith.addf %mul3A_666, %add3A_668 : vector<16xf32>
      %mul3A_670 = arith.constant 2.550000e+02 : f32
      %mul3A_671 = vector.broadcast %mul3A_670 : f32 to vector<16xf32>
      %mul3A_672 = arith.mulf %add3A_669, %mul3A_671 : vector<16xf32>
      %jit3A_673 = arith.constant 0.000000e+00 : f32
      %jit3A_674 = arith.constant 2.550000e+02 : f32
      %max3A_675 = vector.broadcast %jit3A_673 : f32 to vector<16xf32>
      %max3A_676 = arith.maximumf %max3A_675, %mul3A_672 : vector<16xf32>
      %min3A_677 = vector.broadcast %jit3A_674 : f32 to vector<16xf32>
      %min3A_678 = arith.minimumf %min3A_677, %max3A_676 : vector<16xf32>
      %add3A_679 = arith.constant 5.000000e-01 : f32
      %add3A_680 = vector.broadcast %add3A_679 : f32 to vector<16xf32>
      %add3A_681 = arith.addf %min3A_678, %add3A_680 : vector<16xf32>
      %convert_element_type3A_682 = arith.fptosi %add3A_681 : vector<16xf32> to vector<16xi32>
      %convert_element_type3A_683 = arith.sitofp %convert_element_type3A_682 : vector<16xi32> to vector<16xf32>
      %sub3A_684 = arith.subf %convert_element_type3A_683, %min3A_678 : vector<16xf32>
      %eq3A_685 = arith.constant 5.000000e-01 : f32
      %eq3A_686 = vector.broadcast %eq3A_685 : f32 to vector<16xf32>
      %eq3A_687 = arith.cmpf oeq, %sub3A_684, %eq3A_686 : vector<16xf32>
      %and3A_688 = arith.constant 1 : i32
      %and3A_689 = vector.broadcast %and3A_688 : i32 to vector<16xi32>
      %and3A_690 = arith.andi %convert_element_type3A_682, %and3A_689 : vector<16xi32>
      %eq3A_691 = arith.constant 1 : i32
      %eq3A_692 = vector.broadcast %eq3A_691 : i32 to vector<16xi32>
      %eq3A_693 = arith.cmpi eq, %and3A_690, %eq3A_692 : vector<16xi32>
      %and3A_694 = arith.andi %eq3A_687, %eq3A_693 : vector<16xi1>
      %jit3A_695 = arith.constant 1 : i32
      %jit3A_696 = arith.constant 0 : i32
      %broadcast_in_dim3A_697 = vector.broadcast %jit3A_695 : i32 to vector<16xi32>
      %broadcast_in_dim3A_698 = vector.broadcast %jit3A_696 : i32 to vector<16xi32>
      %select_n3A_699 = arith.select %and3A_694, %broadcast_in_dim3A_697, %broadcast_in_dim3A_698 : vector<16xi1>, vector<16xi32>
      %sub3A_700 = arith.subi %convert_element_type3A_682, %select_n3A_699 : vector<16xi32>
      %add3A_701 = arith.addi %sub3A_700, %sub3A_32 : vector<16xi32>
      %add3A_702 = arith.addi %sub3A_658, %sub3A_55 : vector<16xi32>
      %ge3A = arith.constant 0 : i32
      %ge3A_703 = vector.broadcast %ge3A : i32 to vector<16xi32>
      %ge3A_704 = arith.cmpi sge, %add3A_701, %ge3A_703 : vector<16xi32>
      %and3A_705 = arith.andi %lt3A_58, %ge3A_704 : vector<16xi1>
      %le3A = arith.constant 255 : i32
      %le3A_706 = vector.broadcast %le3A : i32 to vector<16xi32>
      %le3A_707 = arith.cmpi sle, %add3A_701, %le3A_706 : vector<16xi32>
      %and3A_708 = arith.andi %and3A_705, %le3A_707 : vector<16xi1>
      %ge3A_709 = arith.constant 0 : i32
      %ge3A_710 = vector.broadcast %ge3A_709 : i32 to vector<16xi32>
      %ge3A_711 = arith.cmpi sge, %add3A_702, %ge3A_710 : vector<16xi32>
      %and3A_712 = arith.andi %and3A_708, %ge3A_711 : vector<16xi1>
      %le3A_713 = arith.constant 255 : i32
      %le3A_714 = vector.broadcast %le3A_713 : i32 to vector<16xi32>
      %le3A_715 = arith.cmpi sle, %add3A_702, %le3A_714 : vector<16xi32>
      %and3A_716 = arith.andi %and3A_712, %le3A_715 : vector<16xi1>
      tpu.vector_store_idx %arg5[%add3A_701, %add3A_702], %select_n3A_68 masked %and3A_716 : memref<256x256xf32, #tpu.memory_space<vmem>>[vector<16xi32>, vector<16xi32>], vector<16xf32>, vector<16xi1>
      %add3A_717 = arith.addi %sub3A_700, %sub3A_105 : vector<16xi32>
      %add3A_718 = arith.addi %sub3A_658, %sub3A_130 : vector<16xi32>
      %ge3A_719 = arith.constant 0 : i32
      %ge3A_720 = vector.broadcast %ge3A_719 : i32 to vector<16xi32>
      %ge3A_721 = arith.cmpi sge, %add3A_717, %ge3A_720 : vector<16xi32>
      %and3A_722 = arith.andi %lt3A_133, %ge3A_721 : vector<16xi1>
      %le3A_723 = arith.constant 255 : i32
      %le3A_724 = vector.broadcast %le3A_723 : i32 to vector<16xi32>
      %le3A_725 = arith.cmpi sle, %add3A_717, %le3A_724 : vector<16xi32>
      %and3A_726 = arith.andi %and3A_722, %le3A_725 : vector<16xi1>
      %ge3A_727 = arith.constant 0 : i32
      %ge3A_728 = vector.broadcast %ge3A_727 : i32 to vector<16xi32>
      %ge3A_729 = arith.cmpi sge, %add3A_718, %ge3A_728 : vector<16xi32>
      %and3A_730 = arith.andi %and3A_726, %ge3A_729 : vector<16xi1>
      %le3A_731 = arith.constant 255 : i32
      %le3A_732 = vector.broadcast %le3A_731 : i32 to vector<16xi32>
      %le3A_733 = arith.cmpi sle, %add3A_718, %le3A_732 : vector<16xi32>
      %and3A_734 = arith.andi %and3A_730, %le3A_733 : vector<16xi1>
      tpu.vector_store_idx %arg5[%add3A_717, %add3A_718], %select_n3A_145 masked %and3A_734 : memref<256x256xf32, #tpu.memory_space<vmem>>[vector<16xi32>, vector<16xi32>], vector<16xf32>, vector<16xi1>
      %add3A_735 = arith.addi %sub3A_700, %sub3A_182 : vector<16xi32>
      %add3A_736 = arith.addi %sub3A_658, %sub3A_207 : vector<16xi32>
      %ge3A_737 = arith.constant 0 : i32
      %ge3A_738 = vector.broadcast %ge3A_737 : i32 to vector<16xi32>
      %ge3A_739 = arith.cmpi sge, %add3A_735, %ge3A_738 : vector<16xi32>
      %and3A_740 = arith.andi %lt3A_210, %ge3A_739 : vector<16xi1>
      %le3A_741 = arith.constant 255 : i32
      %le3A_742 = vector.broadcast %le3A_741 : i32 to vector<16xi32>
      %le3A_743 = arith.cmpi sle, %add3A_735, %le3A_742 : vector<16xi32>
      %and3A_744 = arith.andi %and3A_740, %le3A_743 : vector<16xi1>
      %ge3A_745 = arith.constant 0 : i32
      %ge3A_746 = vector.broadcast %ge3A_745 : i32 to vector<16xi32>
      %ge3A_747 = arith.cmpi sge, %add3A_736, %ge3A_746 : vector<16xi32>
      %and3A_748 = arith.andi %and3A_744, %ge3A_747 : vector<16xi1>
      %le3A_749 = arith.constant 255 : i32
      %le3A_750 = vector.broadcast %le3A_749 : i32 to vector<16xi32>
      %le3A_751 = arith.cmpi sle, %add3A_736, %le3A_750 : vector<16xi32>
      %and3A_752 = arith.andi %and3A_748, %le3A_751 : vector<16xi1>
      tpu.vector_store_idx %arg5[%add3A_735, %add3A_736], %select_n3A_222 masked %and3A_752 : memref<256x256xf32, #tpu.memory_space<vmem>>[vector<16xi32>, vector<16xi32>], vector<16xf32>, vector<16xi1>
      %add3A_753 = arith.addi %sub3A_700, %sub3A_259 : vector<16xi32>
      %add3A_754 = arith.addi %sub3A_658, %sub3A_284 : vector<16xi32>
      %ge3A_755 = arith.constant 0 : i32
      %ge3A_756 = vector.broadcast %ge3A_755 : i32 to vector<16xi32>
      %ge3A_757 = arith.cmpi sge, %add3A_753, %ge3A_756 : vector<16xi32>
      %and3A_758 = arith.andi %lt3A_287, %ge3A_757 : vector<16xi1>
      %le3A_759 = arith.constant 255 : i32
      %le3A_760 = vector.broadcast %le3A_759 : i32 to vector<16xi32>
      %le3A_761 = arith.cmpi sle, %add3A_753, %le3A_760 : vector<16xi32>
      %and3A_762 = arith.andi %and3A_758, %le3A_761 : vector<16xi1>
      %ge3A_763 = arith.constant 0 : i32
      %ge3A_764 = vector.broadcast %ge3A_763 : i32 to vector<16xi32>
      %ge3A_765 = arith.cmpi sge, %add3A_754, %ge3A_764 : vector<16xi32>
      %and3A_766 = arith.andi %and3A_762, %ge3A_765 : vector<16xi1>
      %le3A_767 = arith.constant 255 : i32
      %le3A_768 = vector.broadcast %le3A_767 : i32 to vector<16xi32>
      %le3A_769 = arith.cmpi sle, %add3A_754, %le3A_768 : vector<16xi32>
      %and3A_770 = arith.andi %and3A_766, %le3A_769 : vector<16xi1>
      tpu.vector_store_idx %arg5[%add3A_753, %add3A_754], %select_n3A_299 masked %and3A_770 : memref<256x256xf32, #tpu.memory_space<vmem>>[vector<16xi32>, vector<16xi32>], vector<16xf32>, vector<16xi1>
      %add3A_771 = arith.addi %sub3A_700, %sub3A_336 : vector<16xi32>
      %add3A_772 = arith.addi %sub3A_658, %sub3A_361 : vector<16xi32>
      %ge3A_773 = arith.constant 0 : i32
      %ge3A_774 = vector.broadcast %ge3A_773 : i32 to vector<16xi32>
      %ge3A_775 = arith.cmpi sge, %add3A_771, %ge3A_774 : vector<16xi32>
      %and3A_776 = arith.andi %lt3A_364, %ge3A_775 : vector<16xi1>
      %le3A_777 = arith.constant 255 : i32
      %le3A_778 = vector.broadcast %le3A_777 : i32 to vector<16xi32>
      %le3A_779 = arith.cmpi sle, %add3A_771, %le3A_778 : vector<16xi32>
      %and3A_780 = arith.andi %and3A_776, %le3A_779 : vector<16xi1>
      %ge3A_781 = arith.constant 0 : i32
      %ge3A_782 = vector.broadcast %ge3A_781 : i32 to vector<16xi32>
      %ge3A_783 = arith.cmpi sge, %add3A_772, %ge3A_782 : vector<16xi32>
      %and3A_784 = arith.andi %and3A_780, %ge3A_783 : vector<16xi1>
      %le3A_785 = arith.constant 255 : i32
      %le3A_786 = vector.broadcast %le3A_785 : i32 to vector<16xi32>
      %le3A_787 = arith.cmpi sle, %add3A_772, %le3A_786 : vector<16xi32>
      %and3A_788 = arith.andi %and3A_784, %le3A_787 : vector<16xi1>
      tpu.vector_store_idx %arg5[%add3A_771, %add3A_772], %select_n3A_376 masked %and3A_788 : memref<256x256xf32, #tpu.memory_space<vmem>>[vector<16xi32>, vector<16xi32>], vector<16xf32>, vector<16xi1>
      %add3A_789 = arith.addi %sub3A_700, %sub3A_413 : vector<16xi32>
      %add3A_790 = arith.addi %sub3A_658, %sub3A_438 : vector<16xi32>
      %ge3A_791 = arith.constant 0 : i32
      %ge3A_792 = vector.broadcast %ge3A_791 : i32 to vector<16xi32>
      %ge3A_793 = arith.cmpi sge, %add3A_789, %ge3A_792 : vector<16xi32>
      %and3A_794 = arith.andi %lt3A_441, %ge3A_793 : vector<16xi1>
      %le3A_795 = arith.constant 255 : i32
      %le3A_796 = vector.broadcast %le3A_795 : i32 to vector<16xi32>
      %le3A_797 = arith.cmpi sle, %add3A_789, %le3A_796 : vector<16xi32>
      %and3A_798 = arith.andi %and3A_794, %le3A_797 : vector<16xi1>
      %ge3A_799 = arith.constant 0 : i32
      %ge3A_800 = vector.broadcast %ge3A_799 : i32 to vector<16xi32>
      %ge3A_801 = arith.cmpi sge, %add3A_790, %ge3A_800 : vector<16xi32>
      %and3A_802 = arith.andi %and3A_798, %ge3A_801 : vector<16xi1>
      %le3A_803 = arith.constant 255 : i32
      %le3A_804 = vector.broadcast %le3A_803 : i32 to vector<16xi32>
      %le3A_805 = arith.cmpi sle, %add3A_790, %le3A_804 : vector<16xi32>
      %and3A_806 = arith.andi %and3A_802, %le3A_805 : vector<16xi1>
      tpu.vector_store_idx %arg5[%add3A_789, %add3A_790], %select_n3A_453 masked %and3A_806 : memref<256x256xf32, #tpu.memory_space<vmem>>[vector<16xi32>, vector<16xi32>], vector<16xf32>, vector<16xi1>
      %add3A_807 = arith.addi %sub3A_700, %sub3A_490 : vector<16xi32>
      %add3A_808 = arith.addi %sub3A_658, %sub3A_515 : vector<16xi32>
      %ge3A_809 = arith.constant 0 : i32
      %ge3A_810 = vector.broadcast %ge3A_809 : i32 to vector<16xi32>
      %ge3A_811 = arith.cmpi sge, %add3A_807, %ge3A_810 : vector<16xi32>
      %and3A_812 = arith.andi %lt3A_518, %ge3A_811 : vector<16xi1>
      %le3A_813 = arith.constant 255 : i32
      %le3A_814 = vector.broadcast %le3A_813 : i32 to vector<16xi32>
      %le3A_815 = arith.cmpi sle, %add3A_807, %le3A_814 : vector<16xi32>
      %and3A_816 = arith.andi %and3A_812, %le3A_815 : vector<16xi1>
      %ge3A_817 = arith.constant 0 : i32
      %ge3A_818 = vector.broadcast %ge3A_817 : i32 to vector<16xi32>
      %ge3A_819 = arith.cmpi sge, %add3A_808, %ge3A_818 : vector<16xi32>
      %and3A_820 = arith.andi %and3A_816, %ge3A_819 : vector<16xi1>
      %le3A_821 = arith.constant 255 : i32
      %le3A_822 = vector.broadcast %le3A_821 : i32 to vector<16xi32>
      %le3A_823 = arith.cmpi sle, %add3A_808, %le3A_822 : vector<16xi32>
      %and3A_824 = arith.andi %and3A_820, %le3A_823 : vector<16xi1>
      tpu.vector_store_idx %arg5[%add3A_807, %add3A_808], %select_n3A_530 masked %and3A_824 : memref<256x256xf32, #tpu.memory_space<vmem>>[vector<16xi32>, vector<16xi32>], vector<16xf32>, vector<16xi1>
      %add3A_825 = arith.addi %sub3A_700, %sub3A_567 : vector<16xi32>
      %add3A_826 = arith.addi %sub3A_658, %sub3A_592 : vector<16xi32>
      %ge3A_827 = arith.constant 0 : i32
      %ge3A_828 = vector.broadcast %ge3A_827 : i32 to vector<16xi32>
      %ge3A_829 = arith.cmpi sge, %add3A_825, %ge3A_828 : vector<16xi32>
      %and3A_830 = arith.andi %lt3A_595, %ge3A_829 : vector<16xi1>
      %le3A_831 = arith.constant 255 : i32
      %le3A_832 = vector.broadcast %le3A_831 : i32 to vector<16xi32>
      %le3A_833 = arith.cmpi sle, %add3A_825, %le3A_832 : vector<16xi32>
      %and3A_834 = arith.andi %and3A_830, %le3A_833 : vector<16xi1>
      %ge3A_835 = arith.constant 0 : i32
      %ge3A_836 = vector.broadcast %ge3A_835 : i32 to vector<16xi32>
      %ge3A_837 = arith.cmpi sge, %add3A_826, %ge3A_836 : vector<16xi32>
      %and3A_838 = arith.andi %and3A_834, %ge3A_837 : vector<16xi1>
      %le3A_839 = arith.constant 255 : i32
      %le3A_840 = vector.broadcast %le3A_839 : i32 to vector<16xi32>
      %le3A_841 = arith.cmpi sle, %add3A_826, %le3A_840 : vector<16xi32>
      %and3A_842 = arith.andi %and3A_838, %le3A_841 : vector<16xi1>
      tpu.vector_store_idx %arg5[%add3A_825, %add3A_826], %select_n3A_607 masked %and3A_842 : memref<256x256xf32, #tpu.memory_space<vmem>>[vector<16xi32>, vector<16xi32>], vector<16xf32>, vector<16xi1>
      %mul3A_843 = arith.constant 32 : i32
      %mul3A_844 = arith.muli %scan3A_619, %mul3A_843 : i32
      %add3A_845 = arith.addi %mul3A_844, %add3A : i32
      "tpu.region"() ({
        %run_scoped3A = tpu.sem_alloc : memref<!tpu.dma_semaphore, #tpu.memory_space<semaphore_mem>>
        %dma_start3A = arith.constant 0 : i32
        %dma_start3A_846 = arith.constant 0 : i32
        %dma_start3A_847 = tpu.memref_slice %arg3[%add3A_845, %dma_start3A, %dma_start3A_846] : memref<672x256x256xf32, #tpu.memory_space<hbm>> -> memref<1x256x256xf32, #tpu.memory_space<hbm>>
        %dma_start3A_848 = tpu.memref_squeeze %dma_start3A_847 : memref<1x256x256xf32, #tpu.memory_space<hbm>> -> memref<256x256xf32, #tpu.memory_space<hbm>>
        %dma_start3A_849 = arith.constant 0 : i32
        %dma_start3A_850 = arith.constant 0 : i32
        %dma_start3A_851 = tpu.memref_slice %arg3[%add3A_845, %dma_start3A_849, %dma_start3A_850] : memref<672x256x256xf32, #tpu.memory_space<hbm>> -> memref<1x256x256xf32, #tpu.memory_space<hbm>>
        %dma_start3A_852 = tpu.memref_squeeze %dma_start3A_851 : memref<1x256x256xf32, #tpu.memory_space<hbm>> -> memref<256x256xf32, #tpu.memory_space<hbm>>
        tpu.enqueue_dma source(%arg5 : memref<256x256xf32, #tpu.memory_space<vmem>>) target(%dma_start3A_852 : memref<256x256xf32, #tpu.memory_space<hbm>>) target_semaphore(%run_scoped3A : memref<!tpu.dma_semaphore, #tpu.memory_space<semaphore_mem>>)
        %dma_wait3A = arith.constant 0 : i32
        %dma_wait3A_853 = arith.constant 0 : i32
        %dma_wait3A_854 = tpu.memref_slice %arg3[%add3A_845, %dma_wait3A, %dma_wait3A_853] : memref<672x256x256xf32, #tpu.memory_space<hbm>> -> memref<1x256x256xf32, #tpu.memory_space<hbm>>
        %dma_wait3A_855 = tpu.memref_squeeze %dma_wait3A_854 : memref<1x256x256xf32, #tpu.memory_space<hbm>> -> memref<256x256xf32, #tpu.memory_space<hbm>>
        %dma_wait3A_856 = arith.constant 0 : i32
        %dma_wait3A_857 = arith.constant 0 : i32
        %dma_wait3A_858 = tpu.memref_slice %arg3[%add3A_845, %dma_wait3A_856, %dma_wait3A_857] : memref<672x256x256xf32, #tpu.memory_space<hbm>> -> memref<1x256x256xf32, #tpu.memory_space<hbm>>
        %dma_wait3A_859 = tpu.memref_squeeze %dma_wait3A_858 : memref<1x256x256xf32, #tpu.memory_space<hbm>> -> memref<256x256xf32, #tpu.memory_space<hbm>>
        tpu.wait_dma2 semaphore(%run_scoped3A : memref<!tpu.dma_semaphore, #tpu.memory_space<semaphore_mem>>) src(%arg5 : memref<256x256xf32, #tpu.memory_space<vmem>>) dst(%dma_wait3A_859 : memref<256x256xf32, #tpu.memory_space<hbm>>)
        tpu.yield
      }) : () -> ()
      tpu.vector_store_idx %arg5[%add3A_701, %add3A_702], %mul3A_3 masked %and3A_716 : memref<256x256xf32, #tpu.memory_space<vmem>>[vector<16xi32>, vector<16xi32>], vector<16xf32>, vector<16xi1>
      tpu.vector_store_idx %arg5[%add3A_717, %add3A_718], %mul3A_3 masked %and3A_734 : memref<256x256xf32, #tpu.memory_space<vmem>>[vector<16xi32>, vector<16xi32>], vector<16xf32>, vector<16xi1>
      tpu.vector_store_idx %arg5[%add3A_735, %add3A_736], %mul3A_3 masked %and3A_752 : memref<256x256xf32, #tpu.memory_space<vmem>>[vector<16xi32>, vector<16xi32>], vector<16xf32>, vector<16xi1>
      tpu.vector_store_idx %arg5[%add3A_753, %add3A_754], %mul3A_3 masked %and3A_770 : memref<256x256xf32, #tpu.memory_space<vmem>>[vector<16xi32>, vector<16xi32>], vector<16xf32>, vector<16xi1>
      tpu.vector_store_idx %arg5[%add3A_771, %add3A_772], %mul3A_3 masked %and3A_788 : memref<256x256xf32, #tpu.memory_space<vmem>>[vector<16xi32>, vector<16xi32>], vector<16xf32>, vector<16xi1>
      tpu.vector_store_idx %arg5[%add3A_789, %add3A_790], %mul3A_3 masked %and3A_806 : memref<256x256xf32, #tpu.memory_space<vmem>>[vector<16xi32>, vector<16xi32>], vector<16xf32>, vector<16xi1>
      tpu.vector_store_idx %arg5[%add3A_807, %add3A_808], %mul3A_3 masked %and3A_824 : memref<256x256xf32, #tpu.memory_space<vmem>>[vector<16xi32>, vector<16xi32>], vector<16xf32>, vector<16xi1>
      tpu.vector_store_idx %arg5[%add3A_825, %add3A_826], %mul3A_3 masked %and3A_842 : memref<256x256xf32, #tpu.memory_space<vmem>>[vector<16xi32>, vector<16xi32>], vector<16xf32>, vector<16xi1>
    }
    %scan3A_618 = arith.constant 21 : i32
    return
  }
}

</mosaic_0001>

<sc_bundles>
// kernel: kernel.3.cloned.1.call-start
scs
__scs_entry_jumppad:
0x0: {  	(pc) =	sbr.rel $0x88, $3  }
0x1: {  	(tag) =	ssettag $0x0;
	lr =	simm.s32 $0x1  }
0x2: {  	[smem:$0x3FA0] =	sst lr;
	_ =	strace $0xD0000000  }
0x3: {  	_ = 	snop  }
0x4: {  	_ = 	snop  }
0x5: {  	_ = 	snop  }
0x6: {  	_ = 	snop  }
0x7: {  	_ = 	snop  }
__scs_overlays_trampoline_lowered:
0x8: {  	[smem:$0x3FAF] =	sst s0  }
0x9: {  	[smem:$0x3FB0] =	sst s1  }
0xa: {  	[smem:$0x3FB1] =	sst s2  }
0xb: {  	[smem:$0x3FB2] =	sst s3  }
0xc: {  	[smem:$0x3FB3] =	sst s4  }
0xd: {  	[smem:$0x3FB4] =	sst s5  }
0xe: {  	[smem:$0x3FB5] =	sst s6  }
0xf: {  	[smem:$0x3FB6] =	sst s7  }
0x10: {  	[smem:$0x3FB7] =	sst s8  }
0x11: {  	[smem:$0x3FB8] =	sst s9;
	s0 =	simm.s32 @!p0 $0x0  }
0x12: {  	s1 =	sld [smem:$0x3F9E];
	s0 =	simm.s32 @p0 $0x1  }
0x13: {  	[smem:$0x3FB9] =	sst s0;
	s0 =	simm.s32 @!p1 $0x0  }
0x14: {  	s2 =	sld [smem:$0x3F9D];
	s0 =	simm.s32 @p1 $0x1  }
0x15: {  	[smem:$0x3FBA] =	sst s0;
	s0 =	simm.s32 @!p2 $0x0  }
0x16: {  	s3 =	sld [smem:$0x3FDB];
	s0 =	simm.s32 @p2 $0x1  }
0x17: {  	s4 =	simm.s32 $0x1BF5;
	[smem:$0x3FBC] =	sst s0  }
0x18: {  	s0 =	sld [smem:$0x3F9F];
	_ =	swait.ge [sflag:s4], $0x0  }
0x19: {  	s7 =	sld [smem:$0x3FA0]  }
0x1a: {  	s8 =	sadd.s32 $0xFFFFE003, lr  }
0x1b: {  	s9 =	sadd.s32 $0xFFFFFEF7, lr;
	s5 =	simm.s32 $0xFFFFFFFF;
	p2 =	slt.u32 s8, $0xFFFFF086  }
0x1c: {  	p1 =	slt.u32 s9, $0xF7A;
	s5 =	simm.s32 @!p2 $0x0  }
0x1d: {  	s5 =	simm.s32 @p1 $0x1;
	p0 =	seq.s32 s7, s2  }
0x1e: {  	s7 =	smul.u32 @!p0 $0xF7A, s2;
	p2 =	seq.s32 @!p0 s5, $0x0  }
0x1f: {  	s9 =	smul.u32 $0xF7A, s1;
	s8 =	simm.s32 @!p0 $0x1BF5;
	p2 =	por !p2, p0  }
0x20: {  	[sflag:s8] =	ssyncset.s32 @!p0 $0xFFFFF086;
	s6 =	sadd.s32 @!p0 s3, s7;
	s7 =	simm.s32 @!p0 $0x108  }
0x21: {  	s3 =	sadd.s32 s3, s9;
	s6 =	sadd.s32 @!p0 $0x88, s6;
	s7 =	simm.s32 @p2 $0x1082  }
0x22: {  	[simem:s7], [sflag:s8] =	dma.local @!p0 [hbm:s6], $0xF7A  }
0x23: {  	s9 =	sor.u32 $0xD0000000, s2;
	s6 =	simm.s32 $0x108;
	_ =	swait.ge @!p0 [sflag:s8], $0x0  }
0x24: {  	s3 =	sadd.s32 $0x88, s3;
	s6 =	simm.s32 @!p1 $0x1082;
	[sflag:s4] =	ssyncset.s32 $0xFFFFF086  }
0x25: {  	[simem:s6], [sflag:s4] =	dma.local [hbm:s3], $0xF7A  }
0x26: {  	[smem:$0x3FA0] =	sst s1;
	(tag) =	ssettag s2;
	_ =	strace s9  }
0x27: {  	s1 =	sld [smem:$0x3FB0]  }
0x28: {  	s2 =	sld [smem:$0x3FB1]  }
0x29: {  	s4 =	sld [smem:$0x3FB3]  }
0x2a: {  	p0 =	seq.s32 s5, $0x0;
	s5 =	sld [smem:$0x3FB4]  }
0x2b: {  	s6 =	sld [smem:$0x3FB5]  }
0x2c: {  	s7 =	sld [smem:$0x3FB6]  }
0x2d: {  	s3 =	simm.s32 $0x108;
	s8 =	sld [smem:$0x3FB7]  }
0x2e: {  	s3 =	simm.s32 @!p0 $0x1082;
	s9 =	sld [smem:$0x3FB8]  }
0x2f: {  	lr =	sadd.s32 s0, s3;
	s0 =	sld [smem:$0x3FAF]  }
0x30: {  	s3 =	sld [smem:$0x3FB2]  }
0x31: {  	[smem:$0x3FBB] =	sst s10  }
0x32: {  	s10 =	sld [smem:$0x3FB9];
	_ =	sdelay $0x3  }
0x33: {  	p0 =	seq.s32 s10, $0x1;
	s10 =	sld [smem:$0x3FBB];
	_ =	sdelay $0x3  }
0x34: {  	[smem:$0x3FBB] =	sst s10  }
0x35: {  	s10 =	sld [smem:$0x3FBA];
	_ =	sdelay $0x3  }
0x36: {  	p1 =	seq.s32 s10, $0x1;
	s10 =	sld [smem:$0x3FBB];
	_ =	sdelay $0x3  }
0x37: {  	[smem:$0x3FBB] =	sst s10  }
0x38: {  	s10 =	sld [smem:$0x3FBC]  }
0x39: {  	_ = 	snop;
	(pc) =	sbr.ind lr, $3  }
0x3a: {  	_ = 	snop  }
0x3b: {  	_ = 	snop  }
0x3c: {  	p2 =	seq.s32 s10, $0x1;
	s10 =	sld [smem:$0x3FBB]  }
0x3d: {  	_ =	shalt  }
0x3e: {  	_ =	shalt  }
0x3f: {  	_ =	shalt  }
0x40: {  	_ =	shalt  }
0x41: {  	_ =	shalt  }
0x42: {  	_ =	shalt  }
0x43: {  	_ =	shalt  }
0x44: {  	_ =	shalt  }
0x45: {  	_ =	shalt  }
0x46: {  	_ =	shalt  }
0x47: {  	_ =	shalt  }
0x48: {  	_ =	shalt  }
0x49: {  	_ =	shalt  }
0x4a: {  	_ =	shalt  }
0x4b: {  	_ =	shalt  }
0x4c: {  	_ =	shalt  }
0x4d: {  	_ =	shalt  }
0x4e: {  	_ =	shalt  }
0x4f: {  	_ =	shalt  }
0x50: {  	_ =	shalt  }
0x51: {  	_ =	shalt  }
0x52: {  	_ =	shalt  }
0x53: {  	_ =	shalt  }
0x54: {  	_ =	shalt  }
0x55: {  	_ =	shalt  }
0x56: {  	_ =	shalt  }
0x57: {  	_ =	shalt  }
0x58: {  	_ =	shalt  }
0x59: {  	_ =	shalt  }
0x5a: {  	_ =	shalt  }
0x5b: {  	_ =	shalt  }
0x5c: {  	_ =	shalt  }
0x5d: {  	_ =	shalt  }
0x5e: {  	_ =	shalt  }
0x5f: {  	_ =	shalt  }
0x60: {  	_ =	shalt  }
0x61: {  	_ =	shalt  }
0x62: {  	_ =	shalt  }
0x63: {  	_ =	shalt  }
0x64: {  	_ =	shalt  }
0x65: {  	_ =	shalt  }
0x66: {  	_ =	shalt  }
0x67: {  	_ =	shalt  }
0x68: {  	_ =	shalt  }
0x69: {  	_ =	shalt  }
0x6a: {  	_ =	shalt  }
0x6b: {  	_ =	shalt  }
0x6c: {  	_ =	shalt  }
0x6d: {  	_ =	shalt  }
0x6e: {  	_ =	shalt  }
0x6f: {  	_ =	shalt  }
0x70: {  	_ =	shalt  }
0x71: {  	_ =	shalt  }
0x72: {  	_ =	shalt  }
0x73: {  	_ =	shalt  }
0x74: {  	_ =	shalt  }
0x75: {  	_ =	shalt  }
0x76: {  	_ =	shalt  }
0x77: {  	_ =	shalt  }
0x78: {  	_ =	shalt  }
0x79: {  	_ =	shalt  }
0x7a: {  	_ =	shalt  }
0x7b: {  	_ =	shalt  }
0x7c: {  	_ =	shalt  }
0x7d: {  	_ =	shalt  }
0x7e: {  	_ =	shalt  }
0x7f: {  	_ =	shalt  }
0x80: {  	_ =	shalt  }
0x81: {  	_ =	shalt  }
0x82: {  	_ =	shalt  }
0x83: {  	_ =	shalt  }
0x84: {  	_ =	shalt  }
0x85: {  	_ =	shalt  }
0x86: {  	_ =	shalt  }
0x87: {  	_ =	shalt  }
.Lfunc_end0:
.L_simem_size_0:
called_computation_lowered:
.L_overlay_start_0:
0x88: {  	s2 =	sld [smem:$0x3FD9]  }
0x89: {  	s3 =	sld [smem:$0x3FFE];
	_ =	sdelay $0x1  }
0x8a: {  	s1 =	srdreg.scid  }
0x8b: {  	s0 =	sand.u32 $0x1, s1  }
0x8c: {  	s17 =	sshll.u32 s0, $0xA;
	s2 =	sadd.s32 s3, s2  }
0x8d: {  	s2 =	sadd.s32 s2, s17  }
0x8e: {  	[smem:$0x3FC7] =	sst s2  }
0x8f: {  	_ = 	snop  }
0x90: {  	s2 =	sld [smem:$0x3FD0];
	(tm) =	ssettm $0x1  }
0x91: {  	s18 =	sld [smem:$0x3FFB];
	_ =	sdelay $0x3  }
0x92: {  	_ =	strace s18  }
0x93: {  	s3 =	sld [smem:$0x3FFC];
	_ =	sdelay $0x3  }
0x94: {  	_ =	strace s3  }
0x95: {  	s3 =	sld [smem:$0x3FFD];
	_ =	sdelay $0x3  }
0x96: {  	_ =	strace s3  }
0x97: {  	_ =	strace $0x8FFFFFFF  }
0x98: {  	s19 =	sld [smem:$0x3FDB];
	_ =	sdelay $0x1  }
0x99: {  	s4 =	simm.s32 $_scs_section_size  }
0x9a: {  	s5 =	simm.s32 $_size__tile_overlayer_lowered;
	s6 =	simm.s32 $_tile_overlayer_lowered  }
0x9b: {  	s22 =	simm.s32 $0x1BFF;
	s21 =	sshll.u32 s6, $0x1;
	s3 =	sadd.s32 s4, s19  }
0x9c: {  	s7 =	simm.s32 $0x0;
	s20 =	sshll.u32 s5, $0x1;
	s5 =	sadd.s32 s21, s3  }
0x9d: {  	[timem:s7], [sflag:s22] =	dma.local [hbm:s5], s20  }
0x9e: {  	_ =	swait.ge [sflag:s22], s20  }
0x9f: {  	s4 =	ssub.s32 $0x0, s20;
	[sflag:s22] =	ssyncset.done $0x0  }
0xa0: {  	[sflag:s22] =	ssyncadd.s32 s4;
	_ =	sdelay $0x1  }
0xa1: {  	s23 =	simm.s32 $0x1B8B  }
0xa2: {  	_ =	swait.ge [sflag:s23], $0x1  }
0xa3: {  	[sflag:s23] =	ssyncset.done $0x0  }
0xa4: {  	s25 =	simm.s32 $0x1B8E;
	s24 =	sld [smem:$0x3FFE];
	[sflag:s23] =	ssyncadd.s32 $0xFFFFFFFF  }
0xa5: {  	s26 =	simm.s32 $execute0_lowered;
	[smem:$0x3FD2] =	sst s25  }
0xa6: {  	s5 =	sshll.u32 s26, $0x1;
	_ =	strace $0x80000046;
	[dreg:$0x1] =	wrdreg $0xFFFFFFFF  }
0xa7: {  	s28 =	simm.s32 $_size_execute0_lowered;
	s3 =	sadd.s32 s3, s5;
	[dreg:$0x0] =	wrdreg $0x0  }
0xa8: {  	s5 =	sshll.u32 s28, $0x1;
	[dreg:$0x2] =	wrdreg s3  }
0xa9: {  	[dreg:$0x3] =	wrdreg s5  }
0xaa: {  	[dreg:$0x4] =	wrdreg $0xC0  }
0xab: {  	_ =	task [dreg:s7], $0x5FFFF  }
0xac: {  	[dreg:$0x1] =	wrdreg $0xFFFFFFFF  }
0xad: {  	[dreg:$0x0] =	wrdreg $0x60  }
0xae: {  	[dreg:$0x2] =	wrdreg s24  }
0xaf: {  	[dreg:$0x3] =	wrdreg s2  }
0xb0: {  	[dreg:$0x4] =	wrdreg $0x9  }
0xb1: {  	_ =	task.clear_ibuf [dreg:s7], $0x5FFFF;
	_ =	strace $0x90000046  }
0xb2: {  	s29 =	simm.s32 $0x9;
	_ =	strace $0x80000048  }
0xb3: {  	_ =	swait.ge [sflag:s29], $0x1  }
0xb4: {  	[sflag:s29] =	ssyncadd.s32 $0xFFFFFFFF  }
0xb5: {  	_ =	strace $0x90000048  }
0xb6: {  	_ =	sfence  }
0xb7: {  	s30 =	sld [smem:$0x0];
	_ =	sdelay $0x2  }
0xb8: {  	s31 =	sshll.u32 s1, $0xD;
	s1 =	sshrl.u32 s1, $0x2  }
0xb9: {  	s3 =	sand.u32 $0x4000, s31;
	s1 =	sadd.s32 s1, s30  }
0xba: {  	s0 =	sor.u32 s3, s0;
	s1 =	sshll.u32 s1, $0x11  }
0xbb: {  	s0 =	sor.u32 s1, s0  }
0xbc: {  	s0 =	sadd.s32 $0x8F2B, s0  }
0xbd: {  	[sflag:s0] =	ssyncadd.remote.s32 $0x1  }
0xbe: {  	_ =	sfence.sel $0xFFFF  }
0xbf: {  	[dreg:$0x0] =	wrdreg $0xFFFFFFFF;
	(pc) =	sbr.abs _section_cstart, $3  }
0xc0: {  	[dreg:$0x1] =	wrdreg $0xFFFFFFFF  }
0xc1: {  	_ =	task.clear_ibuf [dreg:s7], $0x2FFFF;
	_ =	strace $0x9FFFFFFF  }
0xc2: {  	(tm) =	ssettm $0x7FFFFFFF  }
0xc3: {  	_ =	shalt  }
tec
execute0_lowered:
.L_overlay_start_1:
0x0: {  	(tag) =	ssettag $0x1  }
0x1: {  	vm10 =	vcmask $0x300;
	v0 =	vimm.f32 $-1.362545370e+00  }
0x2: {  	vm11 =	vcmask $0x704;
	vm8 =	vcmask $0xB08;
	vm0 =	vcmask $0xF0C  }
0x3: {  	v1 =	vimm.f32 $-2.003743170e+00;
	vm1 =	vcmask $0x1310;
	vm2 =	vcmask $0x1714  }
0x4: {  	vm3 =	vcmask $0x1B18;
	vm4 =	vcmask $0x1F1C;
	vm5 =	vcmask $0x2320  }
0x5: {  	vm6 =	vcmask $0x2724;
	vm7 =	vcmask $0x2B28;
	vm9 =	vcmask $0x2F2C  }
0x6: {  	vm12 =	vcmask $0x3330;
	vm14 =	vcmask $0x3734;
	vm13 =	vcmask $0x3B38  }
0x7: {  	v2 =	vimm.f32 $-1.041946410e+00;
	v9 =	vimm.s32 $0x210FEDCB;
	v8 =	vimm.f32 $0.0e+00  }
0x8: {  	v10 =	vimm.s32 $0xFFFFFFFC;
	v13 =	vimm.s32 $0x43210FED;
	v14 =	vimm.s32 $0xFEFEFEFD  }
0x9: {  	v16 =	vimm.s32 $0x3210FEDC;
	v17 =	vimm.s32 $0xB543210F;
	v18 =	vimm.s32 $0x1010000  }
0xa: {  	v21 =	vimm.s32 $0x543210FE;
	v27 =	vimm.s32 $0x4030303;
	v0 =	vsel vm10, $0xC0803D54, v0  }
0xb: {  	v1 =	vsel vm10, $0xBFA4258A, v1;
	v3 =	vsel vm10, $0xBFA4258A, v2;
	v11 =	vunpack.c.l.s4.s8 v9  }
0xc: {  	v9 =	vimm.s32 $0xFEDCB543;
	v13 =	vunpack.c.l.s4.s8 v13;
	v14 =	vunpack.c.0.s8.s32 v14  }
0xd: {  	v16 =	vunpack.c.l.s4.s8 v16;
	v17 =	vunpack.c.l.s4.s8 v17;
	v18 =	vunpack.c.0.s8.s32 v18  }
0xe: {  	v21 =	vunpack.c.l.s4.s8 v21;
	v0 =	vsel vm11, $0xC0525019, v0;
	v1 =	vsel vm11, $0xBFAE67E3, v1  }
0xf: {  	v3 =	vsel vm11, $0xC0003D54, v3;
	v12 =	vunpack.c.l.s4.s8 v9;
	v0 =	vsel vm8, $0xC02E67E3, v0  }
0x10: {  	v9 =	vimm.s32 $0x0;
	v1 =	vsel vm8, $0xBFCD2EED, v1;
	v0 =	vsel vm0, $0xC014C205, v0  }
0x11: {  	v3 =	vsel vm8, $0xC0055E80, v3;
	v19 =	vunpack.c.0.s8.s32 v11;
	v0 =	vsel vm1, $0xC0055E80, v0  }
0x12: {  	v11 =	vimm.s32 $0xCB543210;
	v25 =	vunpack.c.0.s8.s32 v13;
	v0 =	vsel vm2, $0xC0003D54, v0  }
0x13: {  	v21 =	vunpack.c.0.s8.s32 v21;
	v1 =	vsel vm1, $0xC024258A, v1;
	v0 =	vsel vm3, $0xC0055E80, v0  }
0x14: {  	v3 =	vsel vm0, $0xBFAE67E3, v3;
	v1 =	vsel vm2, $0xC0525019, v1;
	v0 =	vsel vm4, $0xC014C205, v0  }
0x15: {  	v22 =	vunpack.c.0.s8.s32 v12;
	v1 =	vsel vm3, $0xC02E67E3, v1;
	v0 =	vsel vm5, $0xC02E67E3, v0  }
0x16: {  	v12 =	vimm.s32 $0xFFFFFFFD;
	v1 =	vsel vm5, $0xBFB8AA3B, v1;
	v0 =	vsel vm6, $0xC0525019, v0  }
0x17: {  	v15 =	vunpack.c.l.s4.s8 v11;
	v1 =	vsel vm6, $0xBF855E80, v1;
	v0 =	vsel vm7, $0xC0803D54, v0  }
0x18: {  	s4 =	rddreg [dreg:$0x0];
	v3 =	vsel vm1, $0xBF4D2EED, v3;
	v1 =	vsel vm7, $0xBF4D2EED, v1;
	v0 =	vsel vm9, $0xC0525019, v0  }
0x19: {  	s3 =	rddreg [dreg:$0x1];
	s1 =	simm.s32 $0x0;
	v3 =	vsel vm2, $0xBECD2EED, v3;
	v1 =	vsel vm9, $0xBF38AA3B, v1;
	v0 =	vsel vm12, $0xC024258A, v0  }
0x1a: {  	[smem:$0x7FF] =	sst s1;
	v11 =	vcombine.low v19, v22;
	v1 =	vsel vm12, $0xBF4D2EED, v1;
	v0 =	vsel vm14, $0xC0003D54, v0  }
0x1b: {  	s0 =	rddreg [dreg:$0x2];
	_ =	strace $0x80000047;
	v23 =	vunpack.c.0.s8.s32 v15;
	v1 =	vsel vm14, $0xBF855E80, v1;
	v0 =	vsel vm13, $0xBFCD2EED, v0  }
0x1c: {  	v15 =	vimm.s32 $0x10FEDCB5;
	(erf) = vpow2.f32 v0;
	v0 =	vsel vm13, $0xBFB8AA3B, v1  }
0x1d: {  	v1 =	vimm.f32 $-7.213475100e-01;
	(erf) = vpow2.f32 v0;
	v0 =	vimm.f32 $-4.007486400e-01  }
0x1e: {  	v19 =	vcombine.low v21, v19;
	v1 =	vsel vm10, $0xBE24258A, v1;
	v0 =	vsel vm10, $0xC02E67E3, v0  }
0x1f: {  	v3 =	vsel vm3, $0xBE24258A, v3;
	v1 =	vsel vm11, $0xBDA4258A, v1;
	v0 =	vsel vm11, $0xC014C205, v0  }
0x20: {  	v15 =	vunpack.c.l.s4.s8 v15;
	v1 =	vsel vm8, $0xBE24258A, v1;
	v0 =	vsel vm8, $0xBFCD2EED, v0  }
0x21: {  	v3 =	vsel vm4, $0xBDA4258A, v3;
	v1 =	vsel vm0, $0xBECD2EED, v1;
	v0 =	vsel vm0, $0xBF855E80, v0  }
0x22: {  	v3 =	vsel vm5, $0xBE24258A, v3;
	v1 =	vsel vm1, $0xBF4D2EED, v1;
	v0 =	vsel vm1, $0xBF24258A, v0  }
0x23: {  	v26 =	vunpack.c.0.s8.s32 v15;
	v1 =	vsel vm2, $0xBFAE67E3, v1;
	v0 =	vsel vm3, $0xBEA4258A, v0  }
0x24: {  	v15 =	vunpack.c.0.s8.s32 v17;
	v1 =	vsel vm3, $0xC0055E80, v1;
	v0 =	vsel vm5, $0xBF24258A, v0  }
0x25: {  	v17 =	vimm.s32 $0xDCB54321;
	v1 =	vsel vm4, $0xC0003D54, v1;
	v0 =	vsel vm6, $0xBF855E80, v0  }
0x26: {  	v3 =	vsel vm6, $0xBECD2EED, v3;
	v1 =	vsel vm5, $0xBFA4258A, v1;
	v0 =	vsel vm7, $0xBFCD2EED, v0  }
0x27: {  	v17 =	vunpack.c.l.s4.s8 v17;
	v1 =	vsel vm7, $0xBEA4258A, v1;
	v0 =	vsel vm9, $0xC014C205, v0  }
0x28: {  	v3 =	vsel vm7, $0xBF4D2EED, v3;
	v1 =	vsel vm9, $0xBDA4258A, v1;
	v0 =	vsel vm12, $0xC0055E80, v0  }
0x29: {  	v3 =	vsel vm9, $0xBFAE67E3, v3;
	v1 =	vsel vm12, $0x80000000, v1;
	v0 =	vsel vm14, $0xBFAE67E3, v0  }
0x2a: {  	v3 =	vsel vm12, $0xC0055E80, v3;
	v1 =	vsel vm14, $0xBDA4258A, v1;
	v0 =	vsel vm13, $0xBF4D2EED, v0  }
0x2b: {  	(erf) = vpow2.f32 v0;
	v0 =	vsel vm13, $0xBEA4258A, v1;
	v1 =	vsel vm14, $0xC014C205, v3  }
0x2c: {  	(erf) = vpow2.f32 v0;
	v0 =	vsel vm13, $0xBFCD2EED, v1;
	v1 =	vimm.f32 $-3.286138770e+00  }
0x2d: {  	(erf) = vpow2.f32 v0;
	v0 =	vsel vm10, $0xBF24258A, v2;
	v2 =	vimm.f32 $-2.965539690e+00  }
0x2e: {  	v1 =	vsel vm10, $0xBFB8AA3B, v1;
	v0 =	vsel vm11, $0xBECD2EED, v0;
	v2 =	vsel vm10, $0xC02E67E3, v2  }
0x2f: {  	v1 =	vsel vm11, $0xC0003D54, v1;
	v0 =	vsel vm8, $0xBEA4258A, v0;
	v2 =	vsel vm11, $0xC014C205, v2  }
0x30: {  	v1 =	vsel vm8, $0xC02E67E3, v1;
	v0 =	vsel vm0, $0xBECD2EED, v0;
	v2 =	vsel vm8, $0xC0055E80, v2  }
0x31: {  	v1 =	vsel vm1, $0xC024258A, v1;
	v0 =	vsel vm1, $0xBF24258A, v0;
	v2 =	vsel vm0, $0xC0003D54, v2  }
0x32: {  	v1 =	vsel vm2, $0xC0003D54, v1;
	v0 =	vsel vm3, $0xBFCD2EED, v0;
	v2 =	vsel vm1, $0xC0055E80, v2  }
0x33: {  	v1 =	vsel vm3, $0xBFCD2EED, v1;
	vm1 =	vcmask $0x2B00;
	v0 =	vsel vm4, $0xC014C205, v0  }
0x34: {  	v2 =	vsel vm2, $0xC014C205, v2;
	v1 =	vsel vm4, $0xBFAE67E3, v1;
	v10 =	vsel vm1, $0xFFFFFFFB, v10  }
0x35: {  	vm1 =	vcmask $0x1700;
	v0 =	vsel vm5, $0xC02E67E3, v0;
	v2 =	vsel vm3, $0xC02E67E3, v2  }
0x36: {  	v1 =	vsel vm5, $0xBFA4258A, v1;
	v12 =	vsel vm1, $0xFFFFFFFC, v12;
	vm1 =	vcmask $0xF00  }
0x37: {  	v0 =	vsel vm6, $0xC0003D54, v0;
	v2 =	vsel vm4, $0xC0525019, v2;
	v1 =	vsel vm6, $0xBFAE67E3, v1  }
0x38: {  	v13 =	vnsel vm1, $0xFFFFFFFF, v14;
	v0 =	vsel vm7, $0xBFB8AA3B, v0;
	v2 =	vsel vm5, $0xC0803D54, v2  }
0x39: {  	v1 =	vsel vm7, $0xBFCD2EED, v1;
	v0 =	vsel vm12, $0xBF4D2EED, v0;
	v2 =	vsel vm6, $0xC09C73C7, v2  }
0x3a: {  	v1 =	vsel vm9, $0xC0003D54, v1;
	v0 =	vsel vm14, $0xBF38AA3B, v0;
	v2 =	vsel vm7, $0xC0855E80, v2  }
0x3b: {  	v1 =	vsel vm12, $0xC024258A, v1;
	v0 =	vsel vm13, $0xBF4D2EED, v0;
	v2 =	vsel vm9, $0xC066D4CA, v2  }
0x3c: {  	(erf) = vpow2.f32 v0;
	v0 =	vsel vm13, $0xC0803D54, v1;
	v1 =	vsel vm12, $0xC04D2EED, v2  }
0x3d: {  	v14 =	vimm.s32 $0xEDCB5432;
	(erf) = vpow2.f32 v0;
	v0 =	vsel vm13, $0xC038AA3B, v1  }
0x3e: {  	v21 =	vlaneseq.u32;
	v14 =	vunpack.c.l.s4.s8 v14;
	(erf) = vpow2.f32 v0  }
0x3f: {  	v22 =	vcombine.low v22, v23;
	v24 =	vunpack.c.0.s8.s32 v17;
	vm0 =	vmmov $0x1ff  }
0x40: {  	vm2 =	vcmask $0x2F10;
	v20 =	vunpack.c.0.s8.s32 v14;
	v14 =	vunpack.c.0.s8.s32 v16;
	v0 =	vpop (erf)  }
0x41: {  	v13 =	vsel vm2, $0xFFFFFFFE, v13;
	v16 =	vnsel vm1, $0x2, v18;
	v18 =	vimm.s32 $0xFEDCB54;
	v1 =	vpop (erf)  }
0x42: {  	s5 =	srdreg.scid;
	s2 =	stileid.u32;
	vm2 =	vcmask $0x3310;
	v18 =	vunpack.c.l.s4.s8 v18;
	v14 =	vcombine.low v15, v14;
	v2 =	vpop (erf)  }
0x43: {  	s5 =	sand.u32 $0x1, s5;
	s6 =	sshll.u32 s2, $0x1;
	v15 =	vsel vm2, $0x1, v16;
	v16 =	vcombine.low v23, v25;
	v17 =	vcombine.low v26, v20;
	v3 =	vpop (erf)  }
0x44: {  	s8 =	sshll.u32 s2, $0xE;
	s6 =	sor.u32 s5, s6;
	s7 =	ssub.s32 $0x2, s5;
	v20 =	vunpack.c.0.s8.s32 v27;
	v27 =	vshrl.u32 v21, $0x3;
	v18 =	vunpack.c.0.s8.s32 v18;
	v4 =	vpop (erf)  }
0x45: {  	s31 =	sadd.s32 s8, s3;
	s5 =	sshll.u32 s5, $0xD;
	s6 =	smul.u32 $0x2A0, s6;
	vm2 =	vcmask $0x1B00;
	v25 =	vcombine.low v25, v26;
	v23 =	vor.u32 $0x2, v27;
	v5 =	vpop (erf)  }
0x46: {  	s8 =	simm.s32 $0x0;
	s30 =	sshrl.u32 s7, $0x1;
	s5 =	sadd.s32 s5, s31;
	v18 =	vcombine.low v18, v24;
	v24 =	vnsel vm1, $0x5, v20;
	vm1 =	vcmask $0x3710;
	v6 =	vpop (erf)  }
0x47: {  	s4 =	sadd.s32 s6, s4;
	s6 =	ssub.s32 s7, s30;
	s7 =	simm.s32 $0x1500;
	v21 =	vsel vm1, $0x4, v24;
	v24 =	vimm.s32 $0x6;
	vm1 =	vcmask $0x2300;
	v7 =	vpop (erf)  }
0x48: {  	s3 =	sadd.s32 $0x400, s4;
	s4 =	smax.u32 s6, $0x1;
	s6 =	simm.s32 $0x1;
	v20 =	vsel vm2, $0xFFFFFFFF, v9;
	v24 =	vsel vm1, $0x5, v24;
	v7 =	vnsel vm0, $0x0, v7  }
.LBB2_1:
0x49: {  	[tilespmem:s1], [sflag:$0x1] =	stream.linear.gather [hbm4b:s3+s1], $0x1500, $0x38;
	[tilespmem:$0x11500] =	vst v63  }
0x4a: {  	_ =	swait.ge [sflag:s6], $0x1500  }
0x4b: {  	s9 =	sand.u32 $0xF800, s1;
	s10 =	sand.u32 $0x380, s1;
	[sflag:s6] =	ssyncset.done $0x0  }
0x4c: {  	s9 =	sor.u32 s10, s9;
	[sflag:s6] =	ssyncadd.s32 $0xFFFFEB00  }
0x4d: {  	[tilespmem:s9+$0x1970] =	vst v8  }
0x4e: {  	[tilespmem:s9+$0x1500] =	vst v8  }
0x4f: {  	[tilespmem:s9+$0x1510] =	vst v8  }
0x50: {  	[tilespmem:s9+$0x1520] =	vst v8  }
0x51: {  	[tilespmem:s9+$0x1530] =	vst v8  }
0x52: {  	[tilespmem:s9+$0x1540] =	vst v8  }
0x53: {  	[tilespmem:s9+$0x1550] =	vst v8  }
0x54: {  	[tilespmem:s9+$0x1560] =	vst v8  }
0x55: {  	[tilespmem:s9+$0x1570] =	vst v8  }
0x56: {  	[tilespmem:s9+$0x1900] =	vst v8  }
0x57: {  	[tilespmem:s9+$0x1910] =	vst v8  }
0x58: {  	[tilespmem:s9+$0x1920] =	vst v8  }
0x59: {  	[tilespmem:s9+$0x1930] =	vst v8  }
0x5a: {  	s11 =	simm.s32 $0x100;
	s10 =	simm.s32 $0x80;
	[tilespmem:s9+$0x1940] =	vst v8  }
0x5b: {  	s12 =	sand.u32 $0xF800, s11;
	s11 =	simm.s32 $0x200;
	s13 =	sand.u32 $0x380, s10;
	[tilespmem:s9+$0x1950] =	vst v8  }
.LBB2_2:
0x5c: {  	p0 =	sne.s32 s11, $0xFF00;
	[tilespmem:s9+$0x1960] =	vst v8;
	s9 =	sor.u32 s13, s12  }
0x5d: {  	[tilespmem:s9+$0x1970] =	vst v8  }
0x5e: {  	[tilespmem:s9+$0x1500] =	vst v8  }
0x5f: {  	[tilespmem:s9+$0x1510] =	vst v8  }
0x60: {  	[tilespmem:s9+$0x1520] =	vst v8  }
0x61: {  	[tilespmem:s9+$0x1530] =	vst v8  }
0x62: {  	[tilespmem:s9+$0x1540] =	vst v8  }
0x63: {  	[tilespmem:s9+$0x1550] =	vst v8  }
0x64: {  	[tilespmem:s9+$0x1560] =	vst v8  }
0x65: {  	[tilespmem:s9+$0x1570] =	vst v8  }
0x66: {  	[tilespmem:s9+$0x1900] =	vst v8  }
.Ltmp0:
0x67: {  	[tilespmem:s9+$0x1910] =	vst v8;
	(pc) =	sbr.rel @p0 .LBB2_2-.Ltmp0, $4  }
0x68: {  	[tilespmem:s9+$0x1920] =	vst v8  }
0x69: {  	[tilespmem:s9+$0x1930] =	vst v8  }
0x6a: {  	s10 =	sadd.s32 $0x80, s10;
	[tilespmem:s9+$0x1940] =	vst v8  }
0x6b: {  	s12 =	sand.u32 $0xF800, s11;
	s11 =	sadd.s32 $0x100, s11;
	s13 =	sand.u32 $0x380, s10;
	[tilespmem:s9+$0x1950] =	vst v8  }
0x6c: {  	s10 =	sor.u32 s13, s12;
	[tilespmem:s9+$0x1960] =	vst v8  }
0x6d: {  	[tilespmem:s10+$0x1970] =	vst v8  }
0x6e: {  	[tilespmem:s10+$0x1500] =	vst v8  }
0x6f: {  	[tilespmem:s10+$0x1510] =	vst v8  }
0x70: {  	[tilespmem:s10+$0x1520] =	vst v8  }
0x71: {  	[tilespmem:s10+$0x1530] =	vst v8  }
0x72: {  	[tilespmem:s10+$0x1540] =	vst v8  }
0x73: {  	[tilespmem:s10+$0x1550] =	vst v8  }
0x74: {  	[tilespmem:s10+$0x1560] =	vst v8  }
0x75: {  	[tilespmem:s10+$0x1570] =	vst v8  }
0x76: {  	[tilespmem:s10+$0x1900] =	vst v8  }
0x77: {  	[tilespmem:s10+$0x1910] =	vst v8  }
0x78: {  	[tilespmem:s10+$0x1920] =	vst v8  }
0x79: {  	[tilespmem:s10+$0x1930] =	vst v8  }
0x7a: {  	[tilespmem:s10+$0x1940] =	vst v8  }
0x7b: {  	[tilespmem:s10+$0x1950] =	vst v8  }
0x7c: {  	s31 =	simm.s32 $0x0;
	[tilespmem:s10+$0x1960] =	vst v8  }
0x7d: {  	v26 =	vld [tilespmem:s31+$0x0]  }
0x7e: {  	v27 =	vld [tilespmem:s31+$0x80];
	_ =	sdelay $0x3  }
0x7f: {  	v26 =	vmul.f32 $2.500000000e-01, v26  }
0x80: {  	v27 =	vmul.f32 $2.500000000e-01, v27  }
0x81: {  	v26 =	vadd.f32 $5.000000000e-01, v26  }
0x82: {  	v27 =	vadd.f32 $5.000000000e-01, v27  }
0x83: {  	v26 =	vmul.f32 $2.550000000e+02, v26  }
0x84: {  	v27 =	vmul.f32 $2.550000000e+02, v27  }
0x85: {  	v26 =	vmax.f32 v26, $0.0e+00  }
0x86: {  	v27 =	vmax.f32 v27, $0.0e+00;
	v26 =	vmin.f32 v26, $2.550000000e+02  }
0x87: {  	v27 =	vmin.f32 v27, $2.550000000e+02;
	v28 =	vadd.f32 $5.000000000e-01, v26  }
0x88: {  	v29 =	vadd.f32 $5.000000000e-01, v27  }
0x89: {  	v28 =	vtrunc.f32 v28  }
0x8a: {  	v29 =	vtrunc.f32 v29;
	v28 =	vcvt.f32.s32 v28  }
0x8b: {  	v29 =	vcvt.f32.s32 v29  }
0x8c: {  	v30 =	vcvt.s32.f32 v28  }
0x8d: {  	v31 =	vcvt.s32.f32 v29  }
0x8e: {  	v26 =	vsub.f32 v30, v26  }
0x8f: {  	v30 =	vand.u32 $0x1, v28;
	v27 =	vsub.f32 v31, v27  }
0x90: {  	vm1 =	veq.s32 v30, $0x1;
	v30 =	vand.u32 $0x1, v29;
	vm2 =	veq.f32 v26, $5.000000000e-01  }
0x91: {  	vm3 =	veq.s32 v30, $0x1;
	vm1 =	vmand vm2, vm1;
	vm2 =	veq.f32 v27, $5.000000000e-01  }
0x92: {  	v26 =	vsel vm1, $0xFFFFFFFF, v9;
	vm1 =	vmand vm2, vm3  }
0x93: {  	v34 =	vadd.s32 v28, v26;
	v26 =	vsel vm1, $0xFFFFFFFF, v9  }
0x94: {  	v35 =	vadd.s32 v29, v26;
	v28 =	vadd.s32 v11, v34;
	v27 =	vadd.s32 v16, v34  }
0x95: {  	v26 =	vadd.s32 v25, v34;
	v45 =	vadd.s32 v18, v34;
	v48 =	vadd.s32 v17, v34  }
0x96: {  	v30 =	vadd.s32 v10, v35;
	v31 =	vadd.s32 v12, v35;
	v32 =	vshll.u32 v28, $0x3  }
0x97: {  	v41 =	vadd.s32 v15, v35;
	v37 =	vadd.s32 v20, v35;
	v44 =	vadd.s32 v13, v35  }
0x98: {  	v43 =	vshll.u32 v27, $0x3;
	v46 =	vshll.u32 v45, $0x3;
	v47 =	vshll.u32 v48, $0x3  }
0x99: {  	v50 =	vand.u32 $0x7F, v45;
	v61 =	vadd.s32 v23, v35;
	v29 =	vshll.u32 v30, $0x8  }
0x9a: {  	v33 =	vshll.u32 v31, $0x8;
	v32 =	vand.u32 $0xFFFFFC00, v32;
	v38 =	vshll.u32 v30, $0x7  }
0x9b: {  	v55 =	vor.u32 v27, v31;
	v56 =	vshll.u32 v41, $0x8;
	v57 =	vshll.u32 v44, $0x8  }
0x9c: {  	v49 =	vshll.u32 v44, $0x7;
	v46 =	vand.u32 $0xFFFFFC00, v46;
	v59 =	vand.u32 $0xFFFFFC00, v47  }
0x9d: {  	v43 =	vand.u32 $0xFFFFFC00, v43;
	v62 =	vshll.u32 v61, $0x8;
	v63 =	vshll.u32 v61, $0x7  }
0x9e: {  	v47 =	vshll.u32 v37, $0x8;
	v29 =	vand.u32 $0xFFFFF800, v29;
	v40 =	vand.u32 $0xFFFFF800, v33  }
0x9f: {  	vm1 =	vlt.u32 v55, $0x100;
	v39 =	vand.u32 $0xFFFFF800, v56;
	v33 =	vor.u32 v28, v30  }
0xa0: {  	v30 =	vshll.u32 v31, $0x7;
	v31 =	vadd.s32 v14, v34;
	v38 =	vand.u32 $0x380, v38  }
0xa1: {  	v51 =	vand.u32 $0xFFFFF800, v57;
	v49 =	vand.u32 $0x380, v49;
	v36 =	vadd.s32 v32, v29  }
0xa2: {  	v29 =	vadd.s32 v19, v34;
	v32 =	vand.u32 $0x380, v30;
	v30 =	vshll.u32 v41, $0x7  }
0xa3: {  	v39 =	vadd.s32 v46, v39;
	v58 =	vshll.u32 v31, $0x3;
	v60 =	vadd.s32 v59, v51  }
0xa4: {  	v43 =	vadd.s32 v43, v40;
	v40 =	vor.u32 v45, v41;
	v45 =	vand.u32 $0xFFFFF800, v62  }
0xa5: {  	v51 =	vand.u32 $0x380, v63;
	v42 =	vshll.u32 v29, $0x3;
	v36 =	vor.u32 v38, v36  }
0xa6: {  	v30 =	vand.u32 $0x380, v30;
	v46 =	vand.u32 $0xFFFFFC00, v58;
	v38 =	vand.u32 $0x7F, v48  }
0xa7: {  	v41 =	vor.u32 v29, v61;
	v42 =	vand.u32 $0xFFFFFC00, v42;
	v30 =	vor.u32 v30, v39  }
0xa8: {  	v39 =	vor.u32 v31, v37;
	v30 =	vor.u32 v50, v30;
	v42 =	vadd.s32 v42, v45  }
0xa9: {  	s11 =	smov.u32 s5;
	s9 =	smov.u32 s5;
	s10 =	simm.s32 $0x400;
	v45 =	vor.u32 v48, v44;
	v44 =	vor.u32 v49, v60;
	v42 =	vor.u32 v51, v42  }
.LBB2_4:
0xaa: {  	p0 =	sne.s32 s10, $0x5000  }
0xab: {  	v48 =	vadd.s32 v21, v35;
	v34 =	vadd.s32 v22, v34;
	v35 =	vadd.s32 v24, v35;
	s11 =	sadd.s32 $0x40000, s11;
	s12 =	smov.u32 s10;
	s10 =	sadd.s32 $0x400, s10  }
0xac: {  	v47 =	vand.u32 $0xFFFFF800, v47;
	v37 =	vshll.u32 v37, $0x7;
	v49 =	vshll.u32 v48, $0x8  }
0xad: {  	v46 =	vadd.s32 v46, v47;
	v37 =	vand.u32 $0x380, v37;
	v47 =	vshll.u32 v34, $0x3  }
0xae: {  	v37 =	vor.u32 v37, v46;
	v46 =	vor.u32 v34, v48;
	v47 =	vand.u32 $0xFFFFFC00, v47  }
0xaf: {  	v50 =	vor.u32 v26, v35;
	v51 =	vshll.u32 v35, $0x8;
	v35 =	vshll.u32 v35, $0x7  }
0xb0: {  	vm8 =	vlt.u32 v50, $0x100;
	v50 =	vand.u32 $0xFFFFF800, v51;
	v51 =	vshll.u32 v26, $0x3  }
0xb1: {  	v49 =	vand.u32 $0xFFFFF800, v49;
	v48 =	vshll.u32 v48, $0x7;
	v51 =	vand.u32 $0xFFFFFC00, v51  }
0xb2: {  	v47 =	vadd.s32 v47, v49;
	v48 =	vand.u32 $0x380, v48;
	v49 =	vadd.s32 v51, v50  }
0xb3: {  	vm2 =	vlt.u32 v33, $0x100;
	v28 =	vand.u32 $0x7F, v28;
	v33 =	vor.u32 v48, v47  }
0xb4: {  	v27 =	vand.u32 $0x7F, v27;
	v32 =	vor.u32 v32, v43;
	v28 =	vor.u32 v28, v36  }
0xb5: {  	vm3 =	vlt.u32 v45, $0x100;
	v27 =	vor.u32 v27, v32;
	v32 =	vand.u32 $0x380, v35  }
0xb6: {  	vm4 =	vlt.u32 v39, $0x100;
	v31 =	vand.u32 $0x7F, v31;
	v35 =	vor.u32 v38, v44  }
0xb7: {  	vm5 =	vlt.u32 v40, $0x100;
	v31 =	vor.u32 v31, v37;
	v32 =	vor.u32 v32, v49  }
0xb8: {  	vm6 =	vlt.u32 v41, $0x100;
	v29 =	vand.u32 $0x7F, v29  }
0xb9: {  	v29 =	vor.u32 v29, v42;
	v34 =	vand.u32 $0x7F, v34;
	vm7 =	vlt.u32 v46, $0x100;
	[tilespmem:v28+s7+$0x0] =	vst.idx.msk vm2, v0  }
0xba: {  	v26 =	vand.u32 $0x7F, v26;
	vm8 =	vmand vm8, vm0;
	v33 =	vor.u32 v34, v33;
	[tilespmem:v27+s7+$0x0] =	vst.idx.msk vm1, v1  }
0xbb: {  	v26 =	vor.u32 v26, v32;
	[tilespmem:v35+s7+$0x0] =	vst.idx.msk vm3, v2  }
0xbc: {  	[tilespmem:v31+s7+$0x0] =	vst.idx.msk vm4, v3  }
0xbd: {  	[tilespmem:v30+s7+$0x0] =	vst.idx.msk vm5, v4  }
0xbe: {  	[tilespmem:v29+s7+$0x0] =	vst.idx.msk vm6, v5  }
0xbf: {  	[tilespmem:v33+s7+$0x0] =	vst.idx.msk vm7, v6  }
0xc0: {  	[tilespmem:v26+s7+$0x0] =	vst.idx.msk vm8, v7  }
0xc1: {  	[hbm4b:s9+s1] =	stream.linear.scatter [tilespmem:s7], [sflag:$0x1], $0x10000, $0x38;
	[tilespmem:$0x11500] =	vst v63  }
0xc2: {  	s9 =	smov.u32 s11;
	_ =	swait.ge [sflag:s6], $0x10000  }
0xc3: {  	[sflag:s6] =	ssyncset.done $0x0  }
0xc4: {  	[sflag:s6] =	ssyncadd.s32 $0xFFFF0000  }
0xc5: {  	s12 =	sshra.s32 s12, $0x2;
	[tilespmem:v28+s7+$0x0] =	vst.idx.msk vm2, v8  }
0xc6: {  	[tilespmem:v27+s7+$0x0] =	vst.idx.msk vm1, v8  }
0xc7: {  	[tilespmem:v35+s7+$0x0] =	vst.idx.msk vm3, v8  }
0xc8: {  	[tilespmem:v31+s7+$0x0] =	vst.idx.msk vm4, v8  }
0xc9: {  	[tilespmem:v30+s7+$0x0] =	vst.idx.msk vm5, v8  }
0xca: {  	[tilespmem:v29+s7+$0x0] =	vst.idx.msk vm6, v8  }
0xcb: {  	[tilespmem:v33+s7+$0x0] =	vst.idx.msk vm7, v8  }
0xcc: {  	[tilespmem:v26+s7+$0x0] =	vst.idx.msk vm8, v8  }
0xcd: {  	v26 =	vld [tilespmem:s12+$0x0]  }
0xce: {  	v27 =	vld [tilespmem:s12+$0x80];
	_ =	sdelay $0x3  }
0xcf: {  	v26 =	vmul.f32 $2.500000000e-01, v26  }
0xd0: {  	v27 =	vmul.f32 $2.500000000e-01, v27  }
0xd1: {  	v26 =	vadd.f32 $5.000000000e-01, v26  }
0xd2: {  	v27 =	vadd.f32 $5.000000000e-01, v27  }
0xd3: {  	v26 =	vmul.f32 $2.550000000e+02, v26  }
0xd4: {  	v27 =	vmul.f32 $2.550000000e+02, v27  }
0xd5: {  	v26 =	vmax.f32 v26, $0.0e+00  }
0xd6: {  	v26 =	vmin.f32 v26, $2.550000000e+02;
	v27 =	vmax.f32 v27, $0.0e+00  }
0xd7: {  	v28 =	vadd.f32 $5.000000000e-01, v26;
	v27 =	vmin.f32 v27, $2.550000000e+02  }
0xd8: {  	v29 =	vadd.f32 $5.000000000e-01, v27  }
0xd9: {  	v28 =	vtrunc.f32 v28  }
0xda: {  	v28 =	vcvt.f32.s32 v28;
	v29 =	vtrunc.f32 v29  }
0xdb: {  	v29 =	vcvt.f32.s32 v29  }
0xdc: {  	v30 =	vcvt.s32.f32 v28;
	v31 =	vand.u32 $0x1, v28  }
0xdd: {  	vm1 =	veq.s32 v31, $0x1;
	v31 =	vcvt.s32.f32 v29;
	v32 =	vand.u32 $0x1, v29  }
0xde: {  	v26 =	vsub.f32 v30, v26  }
0xdf: {  	v27 =	vsub.f32 v31, v27  }
0xe0: {  	vm2 =	veq.f32 v26, $5.000000000e-01  }
0xe1: {  	vm3 =	veq.s32 v32, $0x1;
	vm1 =	vmand vm2, vm1;
	vm2 =	veq.f32 v27, $5.000000000e-01  }
0xe2: {  	v26 =	vsel vm1, $0xFFFFFFFF, v9;
	vm1 =	vmand vm2, vm3  }
0xe3: {  	v34 =	vadd.s32 v28, v26;
	v26 =	vsel vm1, $0xFFFFFFFF, v9  }
0xe4: {  	v35 =	vadd.s32 v29, v26;
	v28 =	vadd.s32 v11, v34;
	v27 =	vadd.s32 v16, v34  }
0xe5: {  	v26 =	vadd.s32 v25, v34;
	v30 =	vadd.s32 v10, v35;
	v31 =	vadd.s32 v12, v35  }
0xe6: {  	v32 =	vshll.u32 v28, $0x3;
	v29 =	vshll.u32 v30, $0x8;
	v33 =	vshll.u32 v31, $0x8  }
0xe7: {  	v32 =	vand.u32 $0xFFFFFC00, v32;
	v29 =	vand.u32 $0xFFFFF800, v29;
	v40 =	vand.u32 $0xFFFFF800, v33  }
0xe8: {  	v41 =	vadd.s32 v15, v35;
	v38 =	vshll.u32 v30, $0x7;
	v36 =	vadd.s32 v32, v29  }
0xe9: {  	v33 =	vshll.u32 v41, $0x8;
	v32 =	vor.u32 v27, v31;
	v29 =	vadd.s32 v19, v34  }
0xea: {  	v37 =	vadd.s32 v20, v35;
	v39 =	vand.u32 $0xFFFFF800, v33;
	vm1 =	vlt.u32 v32, $0x100  }
0xeb: {  	v33 =	vor.u32 v28, v30;
	v30 =	vshll.u32 v31, $0x7;
	v42 =	vshll.u32 v29, $0x3  }
0xec: {  	v31 =	vadd.s32 v14, v34;
	v32 =	vand.u32 $0x380, v30;
	v30 =	vshll.u32 v41, $0x7  }
0xed: {  	v44 =	vadd.s32 v13, v35;
	v38 =	vand.u32 $0x380, v38;
	v42 =	vand.u32 $0xFFFFFC00, v42  }
0xee: {  	v45 =	vadd.s32 v18, v34;
	v43 =	vshll.u32 v27, $0x3;
	v36 =	vor.u32 v38, v36  }
0xef: {  	v48 =	vadd.s32 v17, v34;
	v46 =	vshll.u32 v45, $0x3;
	v38 =	vshll.u32 v44, $0x8  }
0xf0: {  	v47 =	vshll.u32 v48, $0x3;
	v49 =	vshll.u32 v44, $0x7;
	v46 =	vand.u32 $0xFFFFFC00, v46  }
0xf1: {  	v50 =	vand.u32 $0x7F, v45;
	v39 =	vadd.s32 v46, v39;
	v30 =	vand.u32 $0x380, v30  }
0xf2: {  	v51 =	vand.u32 $0xFFFFF800, v38;
	v38 =	vshll.u32 v31, $0x3;
	v30 =	vor.u32 v30, v39  }
0xf3: {  	v39 =	vand.u32 $0xFFFFFC00, v47;
	v46 =	vand.u32 $0xFFFFFC00, v38;
	v30 =	vor.u32 v50, v30  }
0xf4: {  	v38 =	vand.u32 $0x7F, v48;
	v50 =	vadd.s32 v39, v51;
	v39 =	vor.u32 v31, v37  }
.Ltmp1:
0xf5: {  	v43 =	vand.u32 $0xFFFFFC00, v43;
	v49 =	vand.u32 $0x380, v49;
	v47 =	vadd.s32 v23, v35;
	(pc) =	sbr.rel @p0 .LBB2_4-.Ltmp1, $4  }
0xf6: {  	v43 =	vadd.s32 v43, v40;
	v40 =	vor.u32 v45, v41;
	v45 =	vshll.u32 v47, $0x8  }
0xf7: {  	v41 =	vor.u32 v29, v47;
	v51 =	vshll.u32 v47, $0x7;
	v45 =	vand.u32 $0xFFFFF800, v45  }
0xf8: {  	v47 =	vshll.u32 v37, $0x8;
	v51 =	vand.u32 $0x380, v51;
	v42 =	vadd.s32 v42, v45  }
0xf9: {  	v45 =	vor.u32 v48, v44;
	v44 =	vor.u32 v49, v50;
	v42 =	vor.u32 v51, v42  }
0xfa: {  	v48 =	vadd.s32 v21, v35;
	v34 =	vadd.s32 v22, v34  }
0xfb: {  	v56 =	vadd.s32 v24, v35;
	v47 =	vand.u32 $0xFFFFF800, v47;
	v37 =	vshll.u32 v37, $0x7  }
0xfc: {  	v60 =	vshll.u32 v26, $0x3;
	vm2 =	vlt.u32 v33, $0x100;
	v28 =	vand.u32 $0x7F, v28  }
0xfd: {  	v27 =	vand.u32 $0x7F, v27;
	v32 =	vor.u32 v32, v43;
	vm4 =	vlt.u32 v45, $0x100  }
0xfe: {  	v63 =	vor.u32 v38, v44;
	vm5 =	vlt.u32 v39, $0x100;
	v31 =	vand.u32 $0x7F, v31  }
0xff: {  	vm6 =	vlt.u32 v40, $0x100;
	vm7 =	vlt.u32 v41, $0x100;
	v29 =	vand.u32 $0x7F, v29  }
0x100: {  	v49 =	vshll.u32 v48, $0x8;
	v46 =	vadd.s32 v46, v47;
	v37 =	vand.u32 $0x380, v37  }
0x101: {  	v57 =	vshll.u32 v34, $0x3;
	v58 =	vor.u32 v34, v48;
	v50 =	vor.u32 v26, v56  }
0x102: {  	v51 =	vshll.u32 v56, $0x8;
	v35 =	vshll.u32 v56, $0x7;
	v48 =	vshll.u32 v48, $0x7  }
0x103: {  	v28 =	vor.u32 v28, v36;
	v27 =	vor.u32 v27, v32;
	v29 =	vor.u32 v29, v42  }
0x104: {  	v34 =	vand.u32 $0x7F, v34;
	v26 =	vand.u32 $0x7F, v26;
	v37 =	vor.u32 v37, v46  }
0x105: {  	v47 =	vand.u32 $0xFFFFFC00, v57;
	vm3 =	vlt.u32 v50, $0x100;
	v59 =	vand.u32 $0xFFFFF800, v51  }
0x106: {  	v49 =	vand.u32 $0xFFFFF800, v49;
	v51 =	vand.u32 $0xFFFFFC00, v60;
	v31 =	vor.u32 v31, v37  }
0x107: {  	v48 =	vand.u32 $0x380, v48;
	v35 =	vand.u32 $0x380, v35;
	v47 =	vadd.s32 v47, v49  }
0x108: {  	vm8 =	vlt.u32 v58, $0x100;
	v61 =	vadd.s32 v51, v59;
	v62 =	vor.u32 v48, v47;
	[tilespmem:v28+s7+$0x0] =	vst.idx.msk vm2, v0  }
0x109: {  	vm3 =	vmand vm3, vm0;
	v35 =	vor.u32 v35, v61;
	v33 =	vor.u32 v34, v62;
	[tilespmem:v27+s7+$0x0] =	vst.idx.msk vm1, v1  }
0x10a: {  	v26 =	vor.u32 v26, v35;
	[tilespmem:v63+s7+$0x0] =	vst.idx.msk vm4, v2  }
0x10b: {  	[tilespmem:v31+s7+$0x0] =	vst.idx.msk vm5, v3  }
0x10c: {  	[tilespmem:v30+s7+$0x0] =	vst.idx.msk vm6, v4  }
0x10d: {  	[tilespmem:v29+s7+$0x0] =	vst.idx.msk vm7, v5  }
0x10e: {  	[tilespmem:v33+s7+$0x0] =	vst.idx.msk vm8, v6  }
0x10f: {  	[tilespmem:v26+s7+$0x0] =	vst.idx.msk vm3, v7  }
0x110: {  	[hbm4b:s9+s1] =	stream.linear.scatter [tilespmem:s7], [sflag:$0x1], $0x10000, $0x38;
	[tilespmem:$0x11500] =	vst v63  }
0x111: {  	_ =	swait.ge [sflag:s6], $0x10000  }
0x112: {  	[sflag:s6] =	ssyncset.done $0x0  }
0x113: {  	[sflag:s6] =	ssyncadd.s32 $0xFFFF0000  }
0x114: {  	[tilespmem:v28+s7+$0x0] =	vst.idx.msk vm2, v8  }
0x115: {  	s8 =	sadd.s32 $0x1, s8;
	[tilespmem:v27+s7+$0x0] =	vst.idx.msk vm1, v8  }
0x116: {  	p0 =	sne.s32 s8, s4;
	[tilespmem:v63+s7+$0x0] =	vst.idx.msk vm4, v8  }
.Ltmp2:
0x117: {  	[tilespmem:v31+s7+$0x0] =	vst.idx.msk vm5, v8;
	(pc) =	sbr.rel @p0 .LBB2_1-.Ltmp2, $4  }
0x118: {  	[tilespmem:v30+s7+$0x0] =	vst.idx.msk vm6, v8  }
0x119: {  	[tilespmem:v29+s7+$0x0] =	vst.idx.msk vm7, v8  }
0x11a: {  	[tilespmem:v33+s7+$0x0] =	vst.idx.msk vm8, v8  }
0x11b: {  	[tilespmem:v26+s7+$0x0] =	vst.idx.msk vm3, v8  }
0x11c: {  	_ =	sfence.sel $0x180000  }
0x11d: {  	[bflag:$0x0] =	sbarrier.arrive $0xFFFF  }
0x11e: {  	p0 =	sne.s32 s2, $0x0;
	_ =	strace $0x90000047  }
0x11f: {  	s0 =	sadd.s32 @!p0 $0x100000, s0;
	[bflag:$0x2] =	sbarrier.arrive $0xFFFF  }
0x120: {  	[sflag:s0] =	ssyncadd.tile.s32 @!p0 $0x1;
	_ =	shalt  }
.Lfunc_end2:
_tile_overlayer_lowered:
.L_overlay_start_2:
0x121: {  	(tag) =	ssettag $0x2  }
0x122: {  	s0 =	rddreg [dreg:$0x0];
	s2 =	stileid.u32  }
0x123: {  	s1 =	rddreg [dreg:$0x1];
	p0 =	sne.s32 s2, $0x0  }
0x124: {  	s3 =	rddreg [dreg:$0x2];
	[bflag:$0x3] =	sbarrier.arrive $0xFFFF;
	s2 =	simm.s32 @!p0 $0x1C01  }
0x125: {  	[timem:s3], [sflag:s2] =	dma.local @!p0 [hbm:s0], s1  }
0x126: {  	s0 =	simm.s32 @!p0 $0x1  }
0x127: {  	_ =	swait.ge @!p0 [sflag:s0], s1  }
0x128: {  	s1 =	ssub.s32 @!p0 $0x0, s1;
	[sflag:s0] =	ssyncset.done @!p0 $0x0  }
0x129: {  	[sflag:s0] =	ssyncadd.s32 @!p0 s1  }
0x12a: {  	[bflag:$0x3] =	sbarrier.arrive $0xFFFF  }
0x12b: {  	_ =	shalt  }

</sc_bundles>
